<compile_context>
chip_gen: v7x
topology: tpu7x:2x2x1
jax: 0.10.2.dev20260603
libtpu: 0.0.44.dev20260713+nightly
codegen_flags: <defaults>
</compile_context>

<pallas_src>
import functools

import jax
import jax.numpy as jnp
from jax import lax
from jax.experimental import pallas as pl
from jax.experimental.pallas import tpu as pltpu
from jax.experimental.pallas import tpu_sc as plsc

_B = 8
_N = 5000
_NP = 5120
_SL = _NP // 4
_NCH = _SL // 16
_C = 80
_D = 100
_NEG = -1e30
_BIG_IDX = 2 ** 30


def _reduce_body(s_ref, best_ref, cls_ref):
    s = s_ref[0]
    m = jnp.max(s, axis=0, keepdims=True)
    ci = lax.broadcasted_iota(jnp.int32, (_C, _N), 0)
    c = jnp.min(jnp.where(s == m, ci, _C), axis=0, keepdims=True)
    best_ref[0] = m
    cls_ref[0] = c


def _sc_nms(best_hbm, cls_hbm, x1_hbm, y1_hbm, x2_hbm, y2_hbm,
            idx_out, sc_out, x1_out, y1_out, x2_out, y2_out, cls_out,
            cnt_out,
            act_v, x1_v, y1_v, x2_v, y2_v, ar_v, cls_v,
            rec_v, grp_v, obuf_v, shared, sem):
    cid = lax.axis_index("c")
    sid = lax.axis_index("s")
    grp = sid // 4
    slc = sid % 4
    b = cid * 4 + grp
    base = slc * _SL

    pltpu.sync_copy(best_hbm.at[b, pl.ds(base, _SL)], act_v)
    pltpu.sync_copy(cls_hbm.at[b, pl.ds(base, _SL)], cls_v.at[pl.ds(0, _SL)])
    pltpu.sync_copy(x1_hbm.at[b, pl.ds(base, _SL)], x1_v.at[pl.ds(0, _SL)])
    pltpu.sync_copy(y1_hbm.at[b, pl.ds(base, _SL)], y1_v.at[pl.ds(0, _SL)])
    pltpu.sync_copy(x2_hbm.at[b, pl.ds(base, _SL)], x2_v.at[pl.ds(0, _SL)])
    pltpu.sync_copy(y2_hbm.at[b, pl.ds(base, _SL)], y2_v.at[pl.ds(0, _SL)])

    def init_chunk(i, carry):
        bmax, bidx = carry
        s = pl.ds(i * 16, 16)
        vx1 = x1_v[s]
        vy1 = y1_v[s]
        vx2 = x2_v[s]
        vy2 = y2_v[s]
        ar_v[s] = (vx2 - vx1) * (vy2 - vy1)
        v = act_v[s]
        v = jnp.where(v > 0.0, v, _NEG)
        act_v[s] = v
        lanes = lax.iota(jnp.int32, 16) + (base + i * 16)
        take = v > bmax
        return jnp.where(take, v, bmax), jnp.where(take, lanes, bidx)

    neg16 = jnp.full((16,), _NEG, jnp.float32)
    big16 = jnp.full((16,), _BIG_IDX, jnp.int32)
    bmax, bidx = lax.fori_loop(0, _NCH, init_chunk, (neg16, big16))

    def lane_argmax(bmax, bidx):
        lane16 = lax.iota(jnp.int32, 16)
        for d in (1, 2, 4, 8):
            perm = jnp.bitwise_xor(lane16, d)
            pm = bmax.at[perm].get(mode="promise_in_bounds")
            pi = bidx.at[perm].get(mode="promise_in_bounds")
            take = (pm > bmax) | ((pm == bmax) & (pi < bidx))
            bmax = jnp.where(take, pm, bmax)
            bidx = jnp.where(take, pi, bidx)
        return bmax[0], bidx[0]

    def step(t, carry):
        bmax, bidx, cnt = carry
        lm, li = lane_argmax(bmax, bidx)
        loc = jnp.minimum(li - base, _SL - 1)
        lane = lax.iota(jnp.int32, 16)
        vx1s = x1_v[pl.ds(loc, 16)][0]
        vy1s = y1_v[pl.ds(loc, 16)][0]
        vx2s = x2_v[pl.ds(loc, 16)][0]
        vy2s = y2_v[pl.ds(loc, 16)][0]
        vcls = cls_v[pl.ds(loc, 16)][0].astype(jnp.float32)
        vars_ = ar_v[pl.ds(loc, 16)][0]
        rec = jnp.where(lane == 0, lm, 0.0)
        rec = jnp.where(lane == 1, li.astype(jnp.float32), rec)
        rec = jnp.where(lane == 2, vx1s, rec)
        rec = jnp.where(lane == 3, vy1s, rec)
        rec = jnp.where(lane == 4, vx2s, rec)
        rec = jnp.where(lane == 5, vy2s, rec)
        rec = jnp.where(lane == 6, vcls, rec)
        rec = jnp.where(lane == 7, vars_, rec)
        rec_v[...] = rec
        pltpu.sync_copy(rec_v, shared.at[16 + sid])
        plsc.subcore_barrier()
        pltpu.sync_copy(shared.at[pl.ds(16 + grp * 4, 4)], grp_v)

        wrec = grp_v[0]
        ws = wrec[0]
        wif = wrec[1]
        for k in range(1, 4):
            rk = grp_v[k]
            ks = rk[0]
            ki = rk[1]
            better = (ks > ws) | ((ks == ws) & (ki < wif))
            bf = jnp.where(better, 1.0, 0.0)
            wrec = wrec * (1.0 - bf) + rk * bf
            ws = jnp.where(better, ks, ws)
            wif = jnp.where(better, ki, wif)
        wx1 = wrec[2]
        wy1 = wrec[3]
        wx2 = wrec[4]
        wy2 = wrec[5]
        wcl = wrec[6]
        war = wrec[7]
        valid = ws > -1e29
        gate = jnp.where(valid, 0.5, 1e30)

        tch = (t // 16) * 16
        tsl = lane == lax.rem(t, 16)

        def put(q, val):
            old = obuf_v[q, pl.ds(tch, 16)]
            obuf_v[q, pl.ds(tch, 16)] = jnp.where(tsl, val, old)

        put(0, jnp.where(valid, ws, 0.0))
        put(1, jnp.where(valid, wif, -1.0))
        put(2, jnp.where(valid, wx1, 0.0))
        put(3, jnp.where(valid, wy1, 0.0))
        put(4, jnp.where(valid, wx2, 0.0))
        put(5, jnp.where(valid, wy2, 0.0))
        put(6, jnp.where(valid, wcl, -1.0))
        cnt = cnt + jnp.where(valid, 1, 0)

        def supp_chunk(i, carry):
            bmax, bidx = carry
            s = pl.ds(i * 16, 16)
            vx1 = x1_v[s]
            vy1 = y1_v[s]
            vx2 = x2_v[s]
            vy2 = y2_v[s]
            var = ar_v[s]
            v = act_v[s]
            iw = jnp.minimum(wx2, vx2) - jnp.maximum(wx1, vx1)
            ih = jnp.minimum(wy2, vy2) - jnp.maximum(wy1, vy1)
            inter = jnp.maximum(iw, 0.0) * jnp.maximum(ih, 0.0)
            union = war + var - inter
            supp = inter > gate * union
            v = jnp.where(supp, _NEG, v)
            act_v[s] = v
            lanes = lax.iota(jnp.int32, 16) + (base + i * 16)
            take = v > bmax
            return jnp.where(take, v, bmax), jnp.where(take, lanes, bidx)

        bmax, bidx = lax.fori_loop(0, _NCH, supp_chunk, (neg16, big16))
        plsc.subcore_barrier()
        return bmax, bidx, cnt

    _, _, cnt = lax.fori_loop(0, _D, step, (bmax, bidx, jnp.int32(0)))

    @pl.when(slc == 0)
    def _():
        pltpu.sync_copy(obuf_v.at[0], sc_out.at[b])
        pltpu.sync_copy(obuf_v.at[1], idx_out.at[b])
        pltpu.sync_copy(obuf_v.at[2], x1_out.at[b])
        pltpu.sync_copy(obuf_v.at[3], y1_out.at[b])
        pltpu.sync_copy(obuf_v.at[4], x2_out.at[b])
        pltpu.sync_copy(obuf_v.at[5], y2_out.at[b])
        pltpu.sync_copy(obuf_v.at[6], cls_out.at[b])
        rec_v[...] = jnp.where(lax.iota(jnp.int32, 16) == 0,
                               cnt.astype(jnp.float32), 0.0)
        pltpu.sync_copy(rec_v, cnt_out.at[b])


@jax.jit
def kernel(scores, boxes):
    scores_t = jnp.swapaxes(scores, 1, 2)
    best, cls = pl.pallas_call(
        _reduce_body,
        grid=(_B,),
        in_specs=[pl.BlockSpec((1, _C, _N), lambda b: (b, 0, 0))],
        out_specs=[pl.BlockSpec((1, 1, _N), lambda b: (b, 0, 0)),
                   pl.BlockSpec((1, 1, _N), lambda b: (b, 0, 0))],
        out_shape=[jax.ShapeDtypeStruct((_B, 1, _N), jnp.float32),
                   jax.ShapeDtypeStruct((_B, 1, _N), jnp.int32)],
    )(scores_t)
    best = jnp.pad(best.reshape(_B, _N), ((0, 0), (0, _NP - _N)),
                   constant_values=-1.0)
    cls = jnp.pad(cls.reshape(_B, _N), ((0, 0), (0, _NP - _N)))
    boxes_t = jnp.transpose(boxes, (2, 0, 1))
    bpad = jnp.pad(boxes_t, ((0, 0), (0, 0), (0, _NP - _N)))
    x1, y1, x2, y2 = bpad[0], bpad[1], bpad[2], bpad[3]

    mesh = plsc.VectorSubcoreMesh(core_axis_name="c", subcore_axis_name="s")
    f32 = jnp.float32
    nms = pl.kernel(
        _sc_nms,
        mesh=mesh,
        out_type=[jax.ShapeDtypeStruct((_B, 128), f32),
                  jax.ShapeDtypeStruct((_B, 128), f32),
                  jax.ShapeDtypeStruct((_B, 128), f32),
                  jax.ShapeDtypeStruct((_B, 128), f32),
                  jax.ShapeDtypeStruct((_B, 128), f32),
                  jax.ShapeDtypeStruct((_B, 128), f32),
                  jax.ShapeDtypeStruct((_B, 128), f32),
                  jax.ShapeDtypeStruct((_B, 16), f32)],
        scratch_types=[
            pltpu.VMEM((_SL,), f32),
            pltpu.VMEM((_SL + 16,), f32),
            pltpu.VMEM((_SL + 16,), f32),
            pltpu.VMEM((_SL + 16,), f32),
            pltpu.VMEM((_SL + 16,), f32),
            pltpu.VMEM((_SL + 16,), f32),
            pltpu.VMEM((_SL + 16,), jnp.int32),
            pltpu.VMEM((16,), f32),
            pltpu.VMEM((4, 16), f32),
            pltpu.VMEM((7, 128), f32),
            pltpu.VMEM_SHARED((32, 16), f32),
            pltpu.SemaphoreType.DMA,
        ],
    )
    oidx, osc, ox1, oy1, ox2, oy2, ocls, ocnt = nms(
        best, cls.astype(jnp.int32), x1, y1, x2, y2)
    boxes_out = jnp.stack([ox1[:, :_D], oy1[:, :_D], ox2[:, :_D],
                           oy2[:, :_D]], axis=-1)
    return (oidx[:, :_D].astype(jnp.int32), osc[:, :_D], boxes_out,
            ocls[:, :_D].astype(jnp.int32), ocnt[:, 0].astype(jnp.int32))

# --- scband reference (transcript-rebuilt; emitter-appended) ---
"""Pipeline reference for scband-nms-39187281609256 (READ-ONLY COPY).

The authoritative reference and input builder live on the scoring server;
editing this copy changes nothing except your own understanding.
"""

import jax, jax.numpy as jnp
import numpy as np

NUM_DETECTIONS = 100
IOU_THRESHOLD = 0.5
SCORE_THRESHOLD = 0.0


def setup_inputs(seed: int = 0) -> dict:
    key = jax.random.key(seed)
    k1, k2, k3 = jax.random.split(key, 3)
    scores = jax.random.normal(k1, (8, 5000, 80), dtype=jnp.float32)
    # Build valid xyxy boxes from uniform fills: top-left corner + positive width/height
    xy = jax.random.uniform(k2, (8, 5000, 2), dtype=jnp.float32) * 1000.0
    wh = jax.random.uniform(k3, (8, 5000, 2), dtype=jnp.float32) * 100.0 + 1.0
    boxes = jnp.concatenate([xy, xy + wh], axis=-1)
    return {"scores": scores, "boxes": boxes}


def _iou_one_vs_all(box, boxes):
    x1 = jnp.maximum(box[0], boxes[:, 0])
    y1 = jnp.maximum(box[1], boxes[:, 1])
    x2 = jnp.minimum(box[2], boxes[:, 2])
    y2 = jnp.minimum(box[3], boxes[:, 3])
    inter = jnp.clip(x2 - x1, 0.0) * jnp.clip(y2 - y1, 0.0)
    area1 = (box[2] - box[0]) * (box[3] - box[1])
    areas = (boxes[:, 2] - boxes[:, 0]) * (boxes[:, 3] - boxes[:, 1])
    union = area1 + areas - inter
    return inter / jnp.maximum(union, 1e-9)


def _nms_single(scores, boxes):
    # scores: [N, C], boxes: [N, 4]
    N = scores.shape[0]
    best_scores = jnp.max(scores, axis=1)
    best_classes = jnp.argmax(scores, axis=1).astype(jnp.int32)
    neg_inf = jnp.float32(-1e30)
    active = jnp.where(best_scores > SCORE_THRESHOLD, best_scores, neg_inf)

    def step(carry, _):
        active, count = carry
        j = jnp.argmax(active)
        valid = active[j] > jnp.float32(-1e29)
        sel_box = boxes[j]
        idx_i = jnp.where(valid, j.astype(jnp.int32), jnp.int32(-1))
        score_i = jnp.where(valid, best_scores[j], jnp.float32(0.0))
        box_i = jnp.where(valid, sel_box, jnp.zeros((4,), boxes.dtype))
        cls_i = jnp.where(valid, best_classes[j], jnp.int32(-1))
        iou = _iou_one_vs_all(sel_box, boxes)
        suppress = (iou > IOU_THRESHOLD) | (jnp.arange(N) == j)
        active = jnp.where(suppress & valid, neg_inf, active)
        count = count + valid.astype(jnp.int32)
        return (active, count), (idx_i, score_i, box_i, cls_i)

    (active, count), (idxs, scs, bxs, clss) = jax.lax.scan(
        step, (active, jnp.int32(0)), jnp.arange(NUM_DETECTIONS))
    return idxs, scs, bxs, clss, count


def reference(scores, boxes):
    # Faithful translation of the poptorch ai.graphcore::Nms custom op:
    # per-box best-class multi-class NMS with iou threshold 0.5, score
    # threshold 0.0, fixed numDetections output slots.
    # Returns (indices[int32 B,D], scores[B,D], boxes[B,D,4], classes[int32 B,D], num_valid[int32 B]).
    return jax.vmap(_nms_single)(scores, boxes)

if __name__ == "__main__":
    import jax
    _d = setup_inputs()
    print(jax.jit(kernel)(*tuple(_d.values())))

</pallas_src>

<mosaic_0001>
#map = affine_map<(d0, d1) -> (0, 0)>
module attributes {stable_mosaic.version = 14 : i64} {
  func.func @_sc_nms(%arg0: i32, %arg1: i32, %arg2: memref<8x5120xf32, #tpu.memory_space<hbm>>, %arg3: memref<8x5120xi32, #tpu.memory_space<hbm>>, %arg4: memref<8x5120xf32, #tpu.memory_space<hbm>>, %arg5: memref<8x5120xf32, #tpu.memory_space<hbm>>, %arg6: memref<8x5120xf32, #tpu.memory_space<hbm>>, %arg7: memref<8x5120xf32, #tpu.memory_space<hbm>>, %arg8: memref<8x128xf32, #tpu.memory_space<hbm>>, %arg9: memref<8x128xf32, #tpu.memory_space<hbm>>, %arg10: memref<8x128xf32, #tpu.memory_space<hbm>>, %arg11: memref<8x128xf32, #tpu.memory_space<hbm>>, %arg12: memref<8x128xf32, #tpu.memory_space<hbm>>, %arg13: memref<8x128xf32, #tpu.memory_space<hbm>>, %arg14: memref<8x128xf32, #tpu.memory_space<hbm>>, %arg15: memref<8x16xf32, #tpu.memory_space<hbm>>, %arg16: memref<1280xf32, #tpu.memory_space<vmem>>, %arg17: memref<1296xf32, #tpu.memory_space<vmem>>, %arg18: memref<1296xf32, #tpu.memory_space<vmem>>, %arg19: memref<1296xf32, #tpu.memory_space<vmem>>, %arg20: memref<1296xf32, #tpu.memory_space<vmem>>, %arg21: memref<1296xf32, #tpu.memory_space<vmem>>, %arg22: memref<1296xi32, #tpu.memory_space<vmem>>, %arg23: memref<16xf32, #tpu.memory_space<vmem>>, %arg24: memref<4x16xf32, #tpu.memory_space<vmem>>, %arg25: memref<7x128xf32, #tpu.memory_space<vmem>>, %arg26: memref<32x16xf32, #tpu.memory_space<vmem_shared>>, %arg27: memref<!tpu.dma_semaphore, #tpu.memory_space<semaphore_mem>>) attributes {dimension_semantics = [#tpu.dimension_semantics<core_parallel>, #tpu.dimension_semantics<subcore_parallel>], iteration_bounds = array<i64: 2, 16>, scalar_prefetch = 0 : i64, scratch_operands = 12 : i64, tpu.core_type = #tpu.core_type<sc_vector_subcore>, window_params = [{transform_indices = #map}, {transform_indices = #map}, {transform_indices = #map}, {transform_indices = #map}, {transform_indices = #map}, {transform_indices = #map}, {transform_indices = #map}, {transform_indices = #map}, {transform_indices = #map}, {transform_indices = #map}, {transform_indices = #map}, {transform_indices = #map}, {transform_indices = #map}, {transform_indices = #map}]} {
    %jit3A = arith.constant 4 : i32
    %div3A = arith.divsi %arg1, %jit3A : i32
    %sign3A = arith.constant 0 : i32
    %sign3A_0 = arith.cmpi sgt, %arg1, %sign3A : i32
    %sign3A_1 = arith.extui %sign3A_0 : i1 to i32
    %sign3A_2 = arith.constant 0 : i32
    %sign3A_3 = arith.cmpi slt, %arg1, %sign3A_2 : i32
    %sign3A_4 = arith.extui %sign3A_3 : i1 to i32
    %sign3A_5 = arith.subi %sign3A_1, %sign3A_4 : i32
    %sign3A_6 = arith.constant 0 : i32
    %sign3A_7 = arith.cmpi sgt, %jit3A, %sign3A_6 : i32
    %sign3A_8 = arith.extui %sign3A_7 : i1 to i32
    %sign3A_9 = arith.constant 0 : i32
    %sign3A_10 = arith.cmpi slt, %jit3A, %sign3A_9 : i32
    %sign3A_11 = arith.extui %sign3A_10 : i1 to i32
    %sign3A_12 = arith.subi %sign3A_8, %sign3A_11 : i32
    %ne3A = arith.cmpi ne, %sign3A_5, %sign3A_12 : i32
    %rem3A = arith.remsi %arg1, %jit3A : i32
    %ne3A_13 = arith.constant 0 : i32
    %ne3A_14 = arith.cmpi ne, %rem3A, %ne3A_13 : i32
    %and3A = arith.andi %ne3A, %ne3A_14 : i1
    %sub3A = arith.constant 1 : i32
    %sub3A_15 = arith.subi %div3A, %sub3A : i32
    %select_n3A = arith.select %and3A, %sub3A_15, %div3A : i32
    %jit3A_16 = arith.constant 4 : i32
    %eq3A = arith.constant 0 : i32
    %eq3A_17 = arith.cmpi eq, %jit3A_16, %eq3A : i32
    %jit3A_18 = arith.constant 1 : i32
    %select_n3A_19 = arith.select %eq3A_17, %jit3A_18, %jit3A_16 : i32
    %rem3A_20 = arith.remsi %arg1, %select_n3A_19 : i32
    %ne3A_21 = arith.constant 0 : i32
    %ne3A_22 = arith.cmpi ne, %rem3A_20, %ne3A_21 : i32
    %lt3A = arith.constant 0 : i32
    %lt3A_23 = arith.cmpi slt, %rem3A_20, %lt3A : i32
    %lt3A_24 = arith.constant 0 : i32
    %lt3A_25 = arith.cmpi slt, %select_n3A_19, %lt3A_24 : i32
    %ne3A_26 = arith.xori %lt3A_23, %lt3A_25 : i1
    %and3A_27 = arith.andi %ne3A_26, %ne3A_22 : i1
    %add3A = arith.addi %rem3A_20, %select_n3A_19 : i32
    %select_n3A_28 = arith.select %and3A_27, %add3A, %rem3A_20 : i32
    %mul3A = arith.constant 4 : i32
    %mul3A_29 = arith.muli %arg0, %mul3A : i32
    %add3A_30 = arith.addi %mul3A_29, %select_n3A : i32
    %mul3A_31 = arith.constant 1280 : i32
    %mul3A_32 = arith.muli %select_n3A_28, %mul3A_31 : i32
    "tpu.region"() ({
      %run_scoped3A = tpu.sem_alloc : memref<!tpu.dma_semaphore, #tpu.memory_space<semaphore_mem>>
      %dma_start3A = tpu.memref_slice %arg2[%add3A_30, %mul3A_32] : memref<8x5120xf32, #tpu.memory_space<hbm>> -> memref<1x1280xf32, #tpu.memory_space<hbm>>
      %dma_start3A_51 = tpu.memref_squeeze %dma_start3A : memref<1x1280xf32, #tpu.memory_space<hbm>> -> memref<1280xf32, #tpu.memory_space<hbm>>
      %dma_start3A_52 = tpu.memref_slice %arg2[%add3A_30, %mul3A_32] : memref<8x5120xf32, #tpu.memory_space<hbm>> -> memref<1x1280xf32, #tpu.memory_space<hbm>>
      %dma_start3A_53 = tpu.memref_squeeze %dma_start3A_52 : memref<1x1280xf32, #tpu.memory_space<hbm>> -> memref<1280xf32, #tpu.memory_space<hbm>>
      tpu.enqueue_dma source(%dma_start3A_53 : memref<1280xf32, #tpu.memory_space<hbm>>) target(%arg16 : memref<1280xf32, #tpu.memory_space<vmem>>) target_semaphore(%run_scoped3A : memref<!tpu.dma_semaphore, #tpu.memory_space<semaphore_mem>>)
      %dma_wait3A = tpu.memref_slice %arg2[%add3A_30, %mul3A_32] : memref<8x5120xf32, #tpu.memory_space<hbm>> -> memref<1x1280xf32, #tpu.memory_space<hbm>>
      %dma_wait3A_54 = tpu.memref_squeeze %dma_wait3A : memref<1x1280xf32, #tpu.memory_space<hbm>> -> memref<1280xf32, #tpu.memory_space<hbm>>
      %dma_wait3A_55 = tpu.memref_slice %arg2[%add3A_30, %mul3A_32] : memref<8x5120xf32, #tpu.memory_space<hbm>> -> memref<1x1280xf32, #tpu.memory_space<hbm>>
      %dma_wait3A_56 = tpu.memref_squeeze %dma_wait3A_55 : memref<1x1280xf32, #tpu.memory_space<hbm>> -> memref<1280xf32, #tpu.memory_space<hbm>>
      tpu.wait_dma2 semaphore(%run_scoped3A : memref<!tpu.dma_semaphore, #tpu.memory_space<semaphore_mem>>) src(%dma_wait3A_56 : memref<1280xf32, #tpu.memory_space<hbm>>) dst(%arg16 : memref<1280xf32, #tpu.memory_space<vmem>>)
      tpu.yield
    }) : () -> ()
    "tpu.region"() ({
      %run_scoped3A = tpu.sem_alloc : memref<!tpu.dma_semaphore, #tpu.memory_space<semaphore_mem>>
      %dma_start3A = arith.constant 0 : i32
      %dma_start3A_51 = tpu.memref_slice %arg22[%dma_start3A] : memref<1296xi32, #tpu.memory_space<vmem>> -> memref<1280xi32, #tpu.memory_space<vmem>>
      %dma_start3A_52 = tpu.memref_slice %arg3[%add3A_30, %mul3A_32] : memref<8x5120xi32, #tpu.memory_space<hbm>> -> memref<1x1280xi32, #tpu.memory_space<hbm>>
      %dma_start3A_53 = tpu.memref_squeeze %dma_start3A_52 : memref<1x1280xi32, #tpu.memory_space<hbm>> -> memref<1280xi32, #tpu.memory_space<hbm>>
      %dma_start3A_54 = arith.constant 0 : i32
      %dma_start3A_55 = tpu.memref_slice %arg22[%dma_start3A_54] : memref<1296xi32, #tpu.memory_space<vmem>> -> memref<1280xi32, #tpu.memory_space<vmem>>
      %dma_start3A_56 = tpu.memref_slice %arg3[%add3A_30, %mul3A_32] : memref<8x5120xi32, #tpu.memory_space<hbm>> -> memref<1x1280xi32, #tpu.memory_space<hbm>>
      %dma_start3A_57 = tpu.memref_squeeze %dma_start3A_56 : memref<1x1280xi32, #tpu.memory_space<hbm>> -> memref<1280xi32, #tpu.memory_space<hbm>>
      tpu.enqueue_dma source(%dma_start3A_57 : memref<1280xi32, #tpu.memory_space<hbm>>) target(%dma_start3A_55 : memref<1280xi32, #tpu.memory_space<vmem>>) target_semaphore(%run_scoped3A : memref<!tpu.dma_semaphore, #tpu.memory_space<semaphore_mem>>)
      %dma_wait3A = arith.constant 0 : i32
      %dma_wait3A_58 = tpu.memref_slice %arg22[%dma_wait3A] : memref<1296xi32, #tpu.memory_space<vmem>> -> memref<1280xi32, #tpu.memory_space<vmem>>
      %dma_wait3A_59 = tpu.memref_slice %arg3[%add3A_30, %mul3A_32] : memref<8x5120xi32, #tpu.memory_space<hbm>> -> memref<1x1280xi32, #tpu.memory_space<hbm>>
      %dma_wait3A_60 = tpu.memref_squeeze %dma_wait3A_59 : memref<1x1280xi32, #tpu.memory_space<hbm>> -> memref<1280xi32, #tpu.memory_space<hbm>>
      %dma_wait3A_61 = arith.constant 0 : i32
      %dma_wait3A_62 = tpu.memref_slice %arg22[%dma_wait3A_61] : memref<1296xi32, #tpu.memory_space<vmem>> -> memref<1280xi32, #tpu.memory_space<vmem>>
      %dma_wait3A_63 = tpu.memref_slice %arg3[%add3A_30, %mul3A_32] : memref<8x5120xi32, #tpu.memory_space<hbm>> -> memref<1x1280xi32, #tpu.memory_space<hbm>>
      %dma_wait3A_64 = tpu.memref_squeeze %dma_wait3A_63 : memref<1x1280xi32, #tpu.memory_space<hbm>> -> memref<1280xi32, #tpu.memory_space<hbm>>
      tpu.wait_dma2 semaphore(%run_scoped3A : memref<!tpu.dma_semaphore, #tpu.memory_space<semaphore_mem>>) src(%dma_wait3A_64 : memref<1280xi32, #tpu.memory_space<hbm>>) dst(%dma_wait3A_62 : memref<1280xi32, #tpu.memory_space<vmem>>)
      tpu.yield
    }) : () -> ()
    "tpu.region"() ({
      %run_scoped3A = tpu.sem_alloc : memref<!tpu.dma_semaphore, #tpu.memory_space<semaphore_mem>>
      %dma_start3A = arith.constant 0 : i32
      %dma_start3A_51 = tpu.memref_slice %arg17[%dma_start3A] : memref<1296xf32, #tpu.memory_space<vmem>> -> memref<1280xf32, #tpu.memory_space<vmem>>
      %dma_start3A_52 = tpu.memref_slice %arg4[%add3A_30, %mul3A_32] : memref<8x5120xf32, #tpu.memory_space<hbm>> -> memref<1x1280xf32, #tpu.memory_space<hbm>>
      %dma_start3A_53 = tpu.memref_squeeze %dma_start3A_52 : memref<1x1280xf32, #tpu.memory_space<hbm>> -> memref<1280xf32, #tpu.memory_space<hbm>>
      %dma_start3A_54 = arith.constant 0 : i32
      %dma_start3A_55 = tpu.memref_slice %arg17[%dma_start3A_54] : memref<1296xf32, #tpu.memory_space<vmem>> -> memref<1280xf32, #tpu.memory_space<vmem>>
      %dma_start3A_56 = tpu.memref_slice %arg4[%add3A_30, %mul3A_32] : memref<8x5120xf32, #tpu.memory_space<hbm>> -> memref<1x1280xf32, #tpu.memory_space<hbm>>
      %dma_start3A_57 = tpu.memref_squeeze %dma_start3A_56 : memref<1x1280xf32, #tpu.memory_space<hbm>> -> memref<1280xf32, #tpu.memory_space<hbm>>
      tpu.enqueue_dma source(%dma_start3A_57 : memref<1280xf32, #tpu.memory_space<hbm>>) target(%dma_start3A_55 : memref<1280xf32, #tpu.memory_space<vmem>>) target_semaphore(%run_scoped3A : memref<!tpu.dma_semaphore, #tpu.memory_space<semaphore_mem>>)
      %dma_wait3A = arith.constant 0 : i32
      %dma_wait3A_58 = tpu.memref_slice %arg17[%dma_wait3A] : memref<1296xf32, #tpu.memory_space<vmem>> -> memref<1280xf32, #tpu.memory_space<vmem>>
      %dma_wait3A_59 = tpu.memref_slice %arg4[%add3A_30, %mul3A_32] : memref<8x5120xf32, #tpu.memory_space<hbm>> -> memref<1x1280xf32, #tpu.memory_space<hbm>>
      %dma_wait3A_60 = tpu.memref_squeeze %dma_wait3A_59 : memref<1x1280xf32, #tpu.memory_space<hbm>> -> memref<1280xf32, #tpu.memory_space<hbm>>
      %dma_wait3A_61 = arith.constant 0 : i32
      %dma_wait3A_62 = tpu.memref_slice %arg17[%dma_wait3A_61] : memref<1296xf32, #tpu.memory_space<vmem>> -> memref<1280xf32, #tpu.memory_space<vmem>>
      %dma_wait3A_63 = tpu.memref_slice %arg4[%add3A_30, %mul3A_32] : memref<8x5120xf32, #tpu.memory_space<hbm>> -> memref<1x1280xf32, #tpu.memory_space<hbm>>
      %dma_wait3A_64 = tpu.memref_squeeze %dma_wait3A_63 : memref<1x1280xf32, #tpu.memory_space<hbm>> -> memref<1280xf32, #tpu.memory_space<hbm>>
      tpu.wait_dma2 semaphore(%run_scoped3A : memref<!tpu.dma_semaphore, #tpu.memory_space<semaphore_mem>>) src(%dma_wait3A_64 : memref<1280xf32, #tpu.memory_space<hbm>>) dst(%dma_wait3A_62 : memref<1280xf32, #tpu.memory_space<vmem>>)
      tpu.yield
    }) : () -> ()
    "tpu.region"() ({
      %run_scoped3A = tpu.sem_alloc : memref<!tpu.dma_semaphore, #tpu.memory_space<semaphore_mem>>
      %dma_start3A = arith.constant 0 : i32
      %dma_start3A_51 = tpu.memref_slice %arg18[%dma_start3A] : memref<1296xf32, #tpu.memory_space<vmem>> -> memref<1280xf32, #tpu.memory_space<vmem>>
      %dma_start3A_52 = tpu.memref_slice %arg5[%add3A_30, %mul3A_32] : memref<8x5120xf32, #tpu.memory_space<hbm>> -> memref<1x1280xf32, #tpu.memory_space<hbm>>
      %dma_start3A_53 = tpu.memref_squeeze %dma_start3A_52 : memref<1x1280xf32, #tpu.memory_space<hbm>> -> memref<1280xf32, #tpu.memory_space<hbm>>
      %dma_start3A_54 = arith.constant 0 : i32
      %dma_start3A_55 = tpu.memref_slice %arg18[%dma_start3A_54] : memref<1296xf32, #tpu.memory_space<vmem>> -> memref<1280xf32, #tpu.memory_space<vmem>>
      %dma_start3A_56 = tpu.memref_slice %arg5[%add3A_30, %mul3A_32] : memref<8x5120xf32, #tpu.memory_space<hbm>> -> memref<1x1280xf32, #tpu.memory_space<hbm>>
      %dma_start3A_57 = tpu.memref_squeeze %dma_start3A_56 : memref<1x1280xf32, #tpu.memory_space<hbm>> -> memref<1280xf32, #tpu.memory_space<hbm>>
      tpu.enqueue_dma source(%dma_start3A_57 : memref<1280xf32, #tpu.memory_space<hbm>>) target(%dma_start3A_55 : memref<1280xf32, #tpu.memory_space<vmem>>) target_semaphore(%run_scoped3A : memref<!tpu.dma_semaphore, #tpu.memory_space<semaphore_mem>>)
      %dma_wait3A = arith.constant 0 : i32
      %dma_wait3A_58 = tpu.memref_slice %arg18[%dma_wait3A] : memref<1296xf32, #tpu.memory_space<vmem>> -> memref<1280xf32, #tpu.memory_space<vmem>>
      %dma_wait3A_59 = tpu.memref_slice %arg5[%add3A_30, %mul3A_32] : memref<8x5120xf32, #tpu.memory_space<hbm>> -> memref<1x1280xf32, #tpu.memory_space<hbm>>
      %dma_wait3A_60 = tpu.memref_squeeze %dma_wait3A_59 : memref<1x1280xf32, #tpu.memory_space<hbm>> -> memref<1280xf32, #tpu.memory_space<hbm>>
      %dma_wait3A_61 = arith.constant 0 : i32
      %dma_wait3A_62 = tpu.memref_slice %arg18[%dma_wait3A_61] : memref<1296xf32, #tpu.memory_space<vmem>> -> memref<1280xf32, #tpu.memory_space<vmem>>
      %dma_wait3A_63 = tpu.memref_slice %arg5[%add3A_30, %mul3A_32] : memref<8x5120xf32, #tpu.memory_space<hbm>> -> memref<1x1280xf32, #tpu.memory_space<hbm>>
      %dma_wait3A_64 = tpu.memref_squeeze %dma_wait3A_63 : memref<1x1280xf32, #tpu.memory_space<hbm>> -> memref<1280xf32, #tpu.memory_space<hbm>>
      tpu.wait_dma2 semaphore(%run_scoped3A : memref<!tpu.dma_semaphore, #tpu.memory_space<semaphore_mem>>) src(%dma_wait3A_64 : memref<1280xf32, #tpu.memory_space<hbm>>) dst(%dma_wait3A_62 : memref<1280xf32, #tpu.memory_space<vmem>>)
      tpu.yield
    }) : () -> ()
    "tpu.region"() ({
      %run_scoped3A = tpu.sem_alloc : memref<!tpu.dma_semaphore, #tpu.memory_space<semaphore_mem>>
      %dma_start3A = arith.constant 0 : i32
      %dma_start3A_51 = tpu.memref_slice %arg19[%dma_start3A] : memref<1296xf32, #tpu.memory_space<vmem>> -> memref<1280xf32, #tpu.memory_space<vmem>>
      %dma_start3A_52 = tpu.memref_slice %arg6[%add3A_30, %mul3A_32] : memref<8x5120xf32, #tpu.memory_space<hbm>> -> memref<1x1280xf32, #tpu.memory_space<hbm>>
      %dma_start3A_53 = tpu.memref_squeeze %dma_start3A_52 : memref<1x1280xf32, #tpu.memory_space<hbm>> -> memref<1280xf32, #tpu.memory_space<hbm>>
      %dma_start3A_54 = arith.constant 0 : i32
      %dma_start3A_55 = tpu.memref_slice %arg19[%dma_start3A_54] : memref<1296xf32, #tpu.memory_space<vmem>> -> memref<1280xf32, #tpu.memory_space<vmem>>
      %dma_start3A_56 = tpu.memref_slice %arg6[%add3A_30, %mul3A_32] : memref<8x5120xf32, #tpu.memory_space<hbm>> -> memref<1x1280xf32, #tpu.memory_space<hbm>>
      %dma_start3A_57 = tpu.memref_squeeze %dma_start3A_56 : memref<1x1280xf32, #tpu.memory_space<hbm>> -> memref<1280xf32, #tpu.memory_space<hbm>>
      tpu.enqueue_dma source(%dma_start3A_57 : memref<1280xf32, #tpu.memory_space<hbm>>) target(%dma_start3A_55 : memref<1280xf32, #tpu.memory_space<vmem>>) target_semaphore(%run_scoped3A : memref<!tpu.dma_semaphore, #tpu.memory_space<semaphore_mem>>)
      %dma_wait3A = arith.constant 0 : i32
      %dma_wait3A_58 = tpu.memref_slice %arg19[%dma_wait3A] : memref<1296xf32, #tpu.memory_space<vmem>> -> memref<1280xf32, #tpu.memory_space<vmem>>
      %dma_wait3A_59 = tpu.memref_slice %arg6[%add3A_30, %mul3A_32] : memref<8x5120xf32, #tpu.memory_space<hbm>> -> memref<1x1280xf32, #tpu.memory_space<hbm>>
      %dma_wait3A_60 = tpu.memref_squeeze %dma_wait3A_59 : memref<1x1280xf32, #tpu.memory_space<hbm>> -> memref<1280xf32, #tpu.memory_space<hbm>>
      %dma_wait3A_61 = arith.constant 0 : i32
      %dma_wait3A_62 = tpu.memref_slice %arg19[%dma_wait3A_61] : memref<1296xf32, #tpu.memory_space<vmem>> -> memref<1280xf32, #tpu.memory_space<vmem>>
      %dma_wait3A_63 = tpu.memref_slice %arg6[%add3A_30, %mul3A_32] : memref<8x5120xf32, #tpu.memory_space<hbm>> -> memref<1x1280xf32, #tpu.memory_space<hbm>>
      %dma_wait3A_64 = tpu.memref_squeeze %dma_wait3A_63 : memref<1x1280xf32, #tpu.memory_space<hbm>> -> memref<1280xf32, #tpu.memory_space<hbm>>
      tpu.wait_dma2 semaphore(%run_scoped3A : memref<!tpu.dma_semaphore, #tpu.memory_space<semaphore_mem>>) src(%dma_wait3A_64 : memref<1280xf32, #tpu.memory_space<hbm>>) dst(%dma_wait3A_62 : memref<1280xf32, #tpu.memory_space<vmem>>)
      tpu.yield
    }) : () -> ()
    "tpu.region"() ({
      %run_scoped3A = tpu.sem_alloc : memref<!tpu.dma_semaphore, #tpu.memory_space<semaphore_mem>>
      %dma_start3A = arith.constant 0 : i32
      %dma_start3A_51 = tpu.memref_slice %arg20[%dma_start3A] : memref<1296xf32, #tpu.memory_space<vmem>> -> memref<1280xf32, #tpu.memory_space<vmem>>
      %dma_start3A_52 = tpu.memref_slice %arg7[%add3A_30, %mul3A_32] : memref<8x5120xf32, #tpu.memory_space<hbm>> -> memref<1x1280xf32, #tpu.memory_space<hbm>>
      %dma_start3A_53 = tpu.memref_squeeze %dma_start3A_52 : memref<1x1280xf32, #tpu.memory_space<hbm>> -> memref<1280xf32, #tpu.memory_space<hbm>>
      %dma_start3A_54 = arith.constant 0 : i32
      %dma_start3A_55 = tpu.memref_slice %arg20[%dma_start3A_54] : memref<1296xf32, #tpu.memory_space<vmem>> -> memref<1280xf32, #tpu.memory_space<vmem>>
      %dma_start3A_56 = tpu.memref_slice %arg7[%add3A_30, %mul3A_32] : memref<8x5120xf32, #tpu.memory_space<hbm>> -> memref<1x1280xf32, #tpu.memory_space<hbm>>
      %dma_start3A_57 = tpu.memref_squeeze %dma_start3A_56 : memref<1x1280xf32, #tpu.memory_space<hbm>> -> memref<1280xf32, #tpu.memory_space<hbm>>
      tpu.enqueue_dma source(%dma_start3A_57 : memref<1280xf32, #tpu.memory_space<hbm>>) target(%dma_start3A_55 : memref<1280xf32, #tpu.memory_space<vmem>>) target_semaphore(%run_scoped3A : memref<!tpu.dma_semaphore, #tpu.memory_space<semaphore_mem>>)
      %dma_wait3A = arith.constant 0 : i32
      %dma_wait3A_58 = tpu.memref_slice %arg20[%dma_wait3A] : memref<1296xf32, #tpu.memory_space<vmem>> -> memref<1280xf32, #tpu.memory_space<vmem>>
      %dma_wait3A_59 = tpu.memref_slice %arg7[%add3A_30, %mul3A_32] : memref<8x5120xf32, #tpu.memory_space<hbm>> -> memref<1x1280xf32, #tpu.memory_space<hbm>>
      %dma_wait3A_60 = tpu.memref_squeeze %dma_wait3A_59 : memref<1x1280xf32, #tpu.memory_space<hbm>> -> memref<1280xf32, #tpu.memory_space<hbm>>
      %dma_wait3A_61 = arith.constant 0 : i32
      %dma_wait3A_62 = tpu.memref_slice %arg20[%dma_wait3A_61] : memref<1296xf32, #tpu.memory_space<vmem>> -> memref<1280xf32, #tpu.memory_space<vmem>>
      %dma_wait3A_63 = tpu.memref_slice %arg7[%add3A_30, %mul3A_32] : memref<8x5120xf32, #tpu.memory_space<hbm>> -> memref<1x1280xf32, #tpu.memory_space<hbm>>
      %dma_wait3A_64 = tpu.memref_squeeze %dma_wait3A_63 : memref<1x1280xf32, #tpu.memory_space<hbm>> -> memref<1280xf32, #tpu.memory_space<hbm>>
      tpu.wait_dma2 semaphore(%run_scoped3A : memref<!tpu.dma_semaphore, #tpu.memory_space<semaphore_mem>>) src(%dma_wait3A_64 : memref<1280xf32, #tpu.memory_space<hbm>>) dst(%dma_wait3A_62 : memref<1280xf32, #tpu.memory_space<vmem>>)
      tpu.yield
    }) : () -> ()
    %broadcast_in_dim3A = arith.constant -1.000000e+30 : f32
    %broadcast_in_dim3A_33 = vector.broadcast %broadcast_in_dim3A : f32 to vector<16xf32>
    %broadcast_in_dim3A_34 = arith.constant 1073741824 : i32
    %broadcast_in_dim3A_35 = vector.broadcast %broadcast_in_dim3A_34 : i32 to vector<16xi32>
    %scan3A = arith.constant 0 : i32
    %scan3A_36 = arith.constant 80 : i32
    %scan3A_37 = arith.addi %scan3A, %scan3A_36 : i32
    %scan3A_38 = arith.constant 1 : i32
    %scan3A_39:2 = scf.for %scan3A_51 = %scan3A to %scan3A_37 step %scan3A_38 iter_args(%scan3A_52 = %broadcast_in_dim3A_33, %scan3A_53 = %broadcast_in_dim3A_35) -> (vector<16xf32>, vector<16xi32>)  : i32 {
      %mul3A_54 = arith.constant 16 : i32
      %mul3A_55 = arith.muli %scan3A_51, %mul3A_54 : i32
      %get3A = arith.index_cast %mul3A_55 : i32 to index
      %get3A_56 = tpu.vector_load %arg17[%get3A] {strides = array<i32>} : memref<1296xf32, #tpu.memory_space<vmem>>, vector<16xf32>,
      %get3A_57 = vector.shape_cast %get3A_56 : vector<16xf32> to vector<16xf32>
      %get3A_58 = arith.index_cast %mul3A_55 : i32 to index
      %get3A_59 = tpu.vector_load %arg18[%get3A_58] {strides = array<i32>} : memref<1296xf32, #tpu.memory_space<vmem>>, vector<16xf32>,
      %get3A_60 = vector.shape_cast %get3A_59 : vector<16xf32> to vector<16xf32>
      %get3A_61 = arith.index_cast %mul3A_55 : i32 to index
      %get3A_62 = tpu.vector_load %arg19[%get3A_61] {strides = array<i32>} : memref<1296xf32, #tpu.memory_space<vmem>>, vector<16xf32>,
      %get3A_63 = vector.shape_cast %get3A_62 : vector<16xf32> to vector<16xf32>
      %get3A_64 = arith.index_cast %mul3A_55 : i32 to index
      %get3A_65 = tpu.vector_load %arg20[%get3A_64] {strides = array<i32>} : memref<1296xf32, #tpu.memory_space<vmem>>, vector<16xf32>,
      %get3A_66 = vector.shape_cast %get3A_65 : vector<16xf32> to vector<16xf32>
      %sub3A_67 = arith.subf %get3A_63, %get3A_57 : vector<16xf32>
      %sub3A_68 = arith.subf %get3A_66, %get3A_60 : vector<16xf32>
      %mul3A_69 = arith.mulf %sub3A_67, %sub3A_68 : vector<16xf32>
      %swap3A = arith.index_cast %mul3A_55 : i32 to index
      %swap3A_70 = tpu.vector_load %arg21[%swap3A] {strides = array<i32>} : memref<1296xf32, #tpu.memory_space<vmem>>, vector<16xf32>,
      %swap3A_71 = vector.shape_cast %swap3A_70 : vector<16xf32> to vector<16xf32>
      %swap3A_72 = vector.shape_cast %mul3A_69 : vector<16xf32> to vector<16xf32>
      tpu.vector_store %arg21[%swap3A], %swap3A_72 {strides = array<i32>} : memref<1296xf32, #tpu.memory_space<vmem>>, vector<16xf32>,
      %get3A_73 = arith.index_cast %mul3A_55 : i32 to index
      %get3A_74 = tpu.vector_load %arg16[%get3A_73] {strides = array<i32>} : memref<1280xf32, #tpu.memory_space<vmem>>, vector<16xf32>,
      %get3A_75 = vector.shape_cast %get3A_74 : vector<16xf32> to vector<16xf32>
      %gt3A = arith.constant 0.000000e+00 : f32
      %gt3A_76 = vector.broadcast %gt3A : f32 to vector<16xf32>
      %gt3A_77 = arith.cmpf ogt, %get3A_75, %gt3A_76 : vector<16xf32>
      %jit3A_78 = arith.constant -1.000000e+30 : f32
      %broadcast_in_dim3A_79 = vector.broadcast %jit3A_78 : f32 to vector<16xf32>
      %select_n3A_80 = arith.select %gt3A_77, %get3A_75, %broadcast_in_dim3A_79 : vector<16xi1>, vector<16xf32>
      %swap3A_81 = arith.index_cast %mul3A_55 : i32 to index
      %swap3A_82 = tpu.vector_load %arg16[%swap3A_81] {strides = array<i32>} : memref<1280xf32, #tpu.memory_space<vmem>>, vector<16xf32>,
      %swap3A_83 = vector.shape_cast %swap3A_82 : vector<16xf32> to vector<16xf32>
      %swap3A_84 = vector.shape_cast %select_n3A_80 : vector<16xf32> to vector<16xf32>
      tpu.vector_store %arg16[%swap3A_81], %swap3A_84 {strides = array<i32>} : memref<1280xf32, #tpu.memory_space<vmem>>, vector<16xf32>,
      %iota3A = tpu.iota {dimensions = array<i32: 0>} : vector<16xi32>
      %mul3A_85 = arith.constant 16 : i32
      %mul3A_86 = arith.muli %scan3A_51, %mul3A_85 : i32
      %add3A_87 = arith.addi %mul3A_32, %mul3A_86 : i32
      %add3A_88 = vector.broadcast %add3A_87 : i32 to vector<16xi32>
      %add3A_89 = arith.addi %iota3A, %add3A_88 : vector<16xi32>
      %gt3A_90 = arith.cmpf ogt, %select_n3A_80, %scan3A_52 : vector<16xf32>
      %select_n3A_91 = arith.select %gt3A_90, %select_n3A_80, %scan3A_52 : vector<16xi1>, vector<16xf32>
      %select_n3A_92 = arith.select %gt3A_90, %add3A_89, %scan3A_53 : vector<16xi1>, vector<16xi32>
      scf.yield %select_n3A_91, %select_n3A_92 : vector<16xf32>, vector<16xi32>
    }
    %scan3A_40 = arith.constant 80 : i32
    %scan3A_41 = arith.constant 0 : i32
    %scan3A_42 = arith.constant 0 : i32
    %scan3A_43 = arith.constant 100 : i32
    %scan3A_44 = arith.addi %scan3A_42, %scan3A_43 : i32
    %scan3A_45 = arith.constant 1 : i32
    %scan3A_46:3 = scf.for %scan3A_51 = %scan3A_42 to %scan3A_44 step %scan3A_45 iter_args(%scan3A_52 = %scan3A_39#0, %scan3A_53 = %scan3A_39#1, %scan3A_54 = %scan3A_41) -> (vector<16xf32>, vector<16xi32>, i32)  : i32 {
      %iota3A = tpu.iota {dimensions = array<i32: 0>} : vector<16xi32>
      %xor3A = arith.constant 1 : i32
      %xor3A_55 = vector.broadcast %xor3A : i32 to vector<16xi32>
      %xor3A_56 = arith.xori %iota3A, %xor3A_55 : vector<16xi32>
      %lt3A_57 = arith.constant 0 : i32
      %lt3A_58 = vector.broadcast %lt3A_57 : i32 to vector<16xi32>
      %lt3A_59 = arith.cmpi slt, %xor3A_56, %lt3A_58 : vector<16xi32>
      %add3A_60 = arith.constant 16 : i32
      %add3A_61 = vector.broadcast %add3A_60 : i32 to vector<16xi32>
      %add3A_62 = arith.addi %xor3A_56, %add3A_61 : vector<16xi32>
      %select_n3A_63 = arith.select %lt3A_59, %add3A_62, %xor3A_56 : vector<16xi1>, vector<16xi32>
      %broadcast_in_dim3A_64 = vector.shape_cast %select_n3A_63 : vector<16xi32> to vector<16x1xi32>
      %gather3A = vector.shape_cast %broadcast_in_dim3A_64 : vector<16x1xi32> to vector<16xi32>
      %gather3A_65 = tpu.dynamic_gather %scan3A_52[%gather3A] in [0] : vector<16xf32>, vector<16xi32> -> vector<16xf32>
      %lt3A_66 = arith.constant 0 : i32
      %lt3A_67 = vector.broadcast %lt3A_66 : i32 to vector<16xi32>
      %lt3A_68 = arith.cmpi slt, %xor3A_56, %lt3A_67 : vector<16xi32>
      %add3A_69 = arith.constant 16 : i32
      %add3A_70 = vector.broadcast %add3A_69 : i32 to vector<16xi32>
      %add3A_71 = arith.addi %xor3A_56, %add3A_70 : vector<16xi32>
      %select_n3A_72 = arith.select %lt3A_68, %add3A_71, %xor3A_56 : vector<16xi1>, vector<16xi32>
      %broadcast_in_dim3A_73 = vector.shape_cast %select_n3A_72 : vector<16xi32> to vector<16x1xi32>
      %gather3A_74 = vector.shape_cast %broadcast_in_dim3A_73 : vector<16x1xi32> to vector<16xi32>
      %gather3A_75 = tpu.dynamic_gather %scan3A_53[%gather3A_74] in [0] : vector<16xi32>, vector<16xi32> -> vector<16xi32>
      %gt3A = arith.cmpf ogt, %gather3A_65, %scan3A_52 : vector<16xf32>
      %eq3A_76 = arith.cmpf oeq, %gather3A_65, %scan3A_52 : vector<16xf32>
      %lt3A_77 = arith.cmpi slt, %gather3A_75, %scan3A_53 : vector<16xi32>
      %and3A_78 = arith.andi %eq3A_76, %lt3A_77 : vector<16xi1>
      %or3A = arith.ori %gt3A, %and3A_78 : vector<16xi1>
      %select_n3A_79 = arith.select %or3A, %gather3A_65, %scan3A_52 : vector<16xi1>, vector<16xf32>
      %select_n3A_80 = arith.select %or3A, %gather3A_75, %scan3A_53 : vector<16xi1>, vector<16xi32>
      %xor3A_81 = arith.constant 2 : i32
      %xor3A_82 = vector.broadcast %xor3A_81 : i32 to vector<16xi32>
      %xor3A_83 = arith.xori %iota3A, %xor3A_82 : vector<16xi32>
      %lt3A_84 = arith.constant 0 : i32
      %lt3A_85 = vector.broadcast %lt3A_84 : i32 to vector<16xi32>
      %lt3A_86 = arith.cmpi slt, %xor3A_83, %lt3A_85 : vector<16xi32>
      %add3A_87 = arith.constant 16 : i32
      %add3A_88 = vector.broadcast %add3A_87 : i32 to vector<16xi32>
      %add3A_89 = arith.addi %xor3A_83, %add3A_88 : vector<16xi32>
      %select_n3A_90 = arith.select %lt3A_86, %add3A_89, %xor3A_83 : vector<16xi1>, vector<16xi32>
      %broadcast_in_dim3A_91 = vector.shape_cast %select_n3A_90 : vector<16xi32> to vector<16x1xi32>
      %gather3A_92 = vector.shape_cast %broadcast_in_dim3A_91 : vector<16x1xi32> to vector<16xi32>
      %gather3A_93 = tpu.dynamic_gather %select_n3A_79[%gather3A_92] in [0] : vector<16xf32>, vector<16xi32> -> vector<16xf32>
      %lt3A_94 = arith.constant 0 : i32
      %lt3A_95 = vector.broadcast %lt3A_94 : i32 to vector<16xi32>
      %lt3A_96 = arith.cmpi slt, %xor3A_83, %lt3A_95 : vector<16xi32>
      %add3A_97 = arith.constant 16 : i32
      %add3A_98 = vector.broadcast %add3A_97 : i32 to vector<16xi32>
      %add3A_99 = arith.addi %xor3A_83, %add3A_98 : vector<16xi32>
      %select_n3A_100 = arith.select %lt3A_96, %add3A_99, %xor3A_83 : vector<16xi1>, vector<16xi32>
      %broadcast_in_dim3A_101 = vector.shape_cast %select_n3A_100 : vector<16xi32> to vector<16x1xi32>
      %gather3A_102 = vector.shape_cast %broadcast_in_dim3A_101 : vector<16x1xi32> to vector<16xi32>
      %gather3A_103 = tpu.dynamic_gather %select_n3A_80[%gather3A_102] in [0] : vector<16xi32>, vector<16xi32> -> vector<16xi32>
      %gt3A_104 = arith.cmpf ogt, %gather3A_93, %select_n3A_79 : vector<16xf32>
      %eq3A_105 = arith.cmpf oeq, %gather3A_93, %select_n3A_79 : vector<16xf32>
      %lt3A_106 = arith.cmpi slt, %gather3A_103, %select_n3A_80 : vector<16xi32>
      %and3A_107 = arith.andi %eq3A_105, %lt3A_106 : vector<16xi1>
      %or3A_108 = arith.ori %gt3A_104, %and3A_107 : vector<16xi1>
      %select_n3A_109 = arith.select %or3A_108, %gather3A_93, %select_n3A_79 : vector<16xi1>, vector<16xf32>
      %select_n3A_110 = arith.select %or3A_108, %gather3A_103, %select_n3A_80 : vector<16xi1>, vector<16xi32>
      %xor3A_111 = arith.constant 4 : i32
      %xor3A_112 = vector.broadcast %xor3A_111 : i32 to vector<16xi32>
      %xor3A_113 = arith.xori %iota3A, %xor3A_112 : vector<16xi32>
      %lt3A_114 = arith.constant 0 : i32
      %lt3A_115 = vector.broadcast %lt3A_114 : i32 to vector<16xi32>
      %lt3A_116 = arith.cmpi slt, %xor3A_113, %lt3A_115 : vector<16xi32>
      %add3A_117 = arith.constant 16 : i32
      %add3A_118 = vector.broadcast %add3A_117 : i32 to vector<16xi32>
      %add3A_119 = arith.addi %xor3A_113, %add3A_118 : vector<16xi32>
      %select_n3A_120 = arith.select %lt3A_116, %add3A_119, %xor3A_113 : vector<16xi1>, vector<16xi32>
      %broadcast_in_dim3A_121 = vector.shape_cast %select_n3A_120 : vector<16xi32> to vector<16x1xi32>
      %gather3A_122 = vector.shape_cast %broadcast_in_dim3A_121 : vector<16x1xi32> to vector<16xi32>
      %gather3A_123 = tpu.dynamic_gather %select_n3A_109[%gather3A_122] in [0] : vector<16xf32>, vector<16xi32> -> vector<16xf32>
      %lt3A_124 = arith.constant 0 : i32
      %lt3A_125 = vector.broadcast %lt3A_124 : i32 to vector<16xi32>
      %lt3A_126 = arith.cmpi slt, %xor3A_113, %lt3A_125 : vector<16xi32>
      %add3A_127 = arith.constant 16 : i32
      %add3A_128 = vector.broadcast %add3A_127 : i32 to vector<16xi32>
      %add3A_129 = arith.addi %xor3A_113, %add3A_128 : vector<16xi32>
      %select_n3A_130 = arith.select %lt3A_126, %add3A_129, %xor3A_113 : vector<16xi1>, vector<16xi32>
      %broadcast_in_dim3A_131 = vector.shape_cast %select_n3A_130 : vector<16xi32> to vector<16x1xi32>
      %gather3A_132 = vector.shape_cast %broadcast_in_dim3A_131 : vector<16x1xi32> to vector<16xi32>
      %gather3A_133 = tpu.dynamic_gather %select_n3A_110[%gather3A_132] in [0] : vector<16xi32>, vector<16xi32> -> vector<16xi32>
      %gt3A_134 = arith.cmpf ogt, %gather3A_123, %select_n3A_109 : vector<16xf32>
      %eq3A_135 = arith.cmpf oeq, %gather3A_123, %select_n3A_109 : vector<16xf32>
      %lt3A_136 = arith.cmpi slt, %gather3A_133, %select_n3A_110 : vector<16xi32>
      %and3A_137 = arith.andi %eq3A_135, %lt3A_136 : vector<16xi1>
      %or3A_138 = arith.ori %gt3A_134, %and3A_137 : vector<16xi1>
      %select_n3A_139 = arith.select %or3A_138, %gather3A_123, %select_n3A_109 : vector<16xi1>, vector<16xf32>
      %select_n3A_140 = arith.select %or3A_138, %gather3A_133, %select_n3A_110 : vector<16xi1>, vector<16xi32>
      %xor3A_141 = arith.constant 8 : i32
      %xor3A_142 = vector.broadcast %xor3A_141 : i32 to vector<16xi32>
      %xor3A_143 = arith.xori %iota3A, %xor3A_142 : vector<16xi32>
      %lt3A_144 = arith.constant 0 : i32
      %lt3A_145 = vector.broadcast %lt3A_144 : i32 to vector<16xi32>
      %lt3A_146 = arith.cmpi slt, %xor3A_143, %lt3A_145 : vector<16xi32>
      %add3A_147 = arith.constant 16 : i32
      %add3A_148 = vector.broadcast %add3A_147 : i32 to vector<16xi32>
      %add3A_149 = arith.addi %xor3A_143, %add3A_148 : vector<16xi32>
      %select_n3A_150 = arith.select %lt3A_146, %add3A_149, %xor3A_143 : vector<16xi1>, vector<16xi32>
      %broadcast_in_dim3A_151 = vector.shape_cast %select_n3A_150 : vector<16xi32> to vector<16x1xi32>
      %gather3A_152 = vector.shape_cast %broadcast_in_dim3A_151 : vector<16x1xi32> to vector<16xi32>
      %gather3A_153 = tpu.dynamic_gather %select_n3A_139[%gather3A_152] in [0] : vector<16xf32>, vector<16xi32> -> vector<16xf32>
      %lt3A_154 = arith.constant 0 : i32
      %lt3A_155 = vector.broadcast %lt3A_154 : i32 to vector<16xi32>
      %lt3A_156 = arith.cmpi slt, %xor3A_143, %lt3A_155 : vector<16xi32>
      %add3A_157 = arith.constant 16 : i32
      %add3A_158 = vector.broadcast %add3A_157 : i32 to vector<16xi32>
      %add3A_159 = arith.addi %xor3A_143, %add3A_158 : vector<16xi32>
      %select_n3A_160 = arith.select %lt3A_156, %add3A_159, %xor3A_143 : vector<16xi1>, vector<16xi32>
      %broadcast_in_dim3A_161 = vector.shape_cast %select_n3A_160 : vector<16xi32> to vector<16x1xi32>
      %gather3A_162 = vector.shape_cast %broadcast_in_dim3A_161 : vector<16x1xi32> to vector<16xi32>
      %gather3A_163 = tpu.dynamic_gather %select_n3A_140[%gather3A_162] in [0] : vector<16xi32>, vector<16xi32> -> vector<16xi32>
      %gt3A_164 = arith.cmpf ogt, %gather3A_153, %select_n3A_139 : vector<16xf32>
      %eq3A_165 = arith.cmpf oeq, %gather3A_153, %select_n3A_139 : vector<16xf32>
      %lt3A_166 = arith.cmpi slt, %gather3A_163, %select_n3A_140 : vector<16xi32>
      %and3A_167 = arith.andi %eq3A_165, %lt3A_166 : vector<16xi1>
      %or3A_168 = arith.ori %gt3A_164, %and3A_167 : vector<16xi1>
      %select_n3A_169 = arith.select %or3A_168, %gather3A_153, %select_n3A_139 : vector<16xi1>, vector<16xf32>
      %select_n3A_170 = arith.select %or3A_168, %gather3A_163, %select_n3A_140 : vector<16xi1>, vector<16xi32>
      %slice3A = vector.extract_strided_slice %select_n3A_169 {offsets = [0], sizes = [1], strides = [1]} : vector<16xf32> to vector<1xf32>
      %squeeze3A = vector.extract %slice3A[0] : f32 from vector<1xf32>
      %slice3A_171 = vector.extract_strided_slice %select_n3A_170 {offsets = [0], sizes = [1], strides = [1]} : vector<16xi32> to vector<1xi32>
      %squeeze3A_172 = vector.extract %slice3A_171[0] : i32 from vector<1xi32>
      %sub3A_173 = arith.subi %squeeze3A_172, %mul3A_32 : i32
      %min3A = arith.constant 1279 : i32
      %min3A_174 = arith.minsi %sub3A_173, %min3A : i32
      %iota3A_175 = tpu.iota {dimensions = array<i32: 0>} : vector<16xi32>
      %get3A = arith.index_cast %min3A_174 : i32 to index
      %get3A_176 = tpu.vector_load %arg17[%get3A] {strides = array<i32>} : memref<1296xf32, #tpu.memory_space<vmem>>, vector<16xf32>,
      %get3A_177 = vector.shape_cast %get3A_176 : vector<16xf32> to vector<16xf32>
      %slice3A_178 = vector.extract_strided_slice %get3A_177 {offsets = [0], sizes = [1], strides = [1]} : vector<16xf32> to vector<1xf32>
      %squeeze3A_179 = vector.extract %slice3A_178[0] : f32 from vector<1xf32>
      %get3A_180 = arith.index_cast %min3A_174 : i32 to index
      %get3A_181 = tpu.vector_load %arg18[%get3A_180] {strides = array<i32>} : memref<1296xf32, #tpu.memory_space<vmem>>, vector<16xf32>,
      %get3A_182 = vector.shape_cast %get3A_181 : vector<16xf32> to vector<16xf32>
      %slice3A_183 = vector.extract_strided_slice %get3A_182 {offsets = [0], sizes = [1], strides = [1]} : vector<16xf32> to vector<1xf32>
      %squeeze3A_184 = vector.extract %slice3A_183[0] : f32 from vector<1xf32>
      %get3A_185 = arith.index_cast %min3A_174 : i32 to index
      %get3A_186 = tpu.vector_load %arg19[%get3A_185] {strides = array<i32>} : memref<1296xf32, #tpu.memory_space<vmem>>, vector<16xf32>,
      %get3A_187 = vector.shape_cast %get3A_186 : vector<16xf32> to vector<16xf32>
      %slice3A_188 = vector.extract_strided_slice %get3A_187 {offsets = [0], sizes = [1], strides = [1]} : vector<16xf32> to vector<1xf32>
      %squeeze3A_189 = vector.extract %slice3A_188[0] : f32 from vector<1xf32>
      %get3A_190 = arith.index_cast %min3A_174 : i32 to index
      %get3A_191 = tpu.vector_load %arg20[%get3A_190] {strides = array<i32>} : memref<1296xf32, #tpu.memory_space<vmem>>, vector<16xf32>,
      %get3A_192 = vector.shape_cast %get3A_191 : vector<16xf32> to vector<16xf32>
      %slice3A_193 = vector.extract_strided_slice %get3A_192 {offsets = [0], sizes = [1], strides = [1]} : vector<16xf32> to vector<1xf32>
      %squeeze3A_194 = vector.extract %slice3A_193[0] : f32 from vector<1xf32>
      %get3A_195 = arith.index_cast %min3A_174 : i32 to index
      %get3A_196 = tpu.vector_load %arg22[%get3A_195] {strides = array<i32>} : memref<1296xi32, #tpu.memory_space<vmem>>, vector<16xi32>,
      %get3A_197 = vector.shape_cast %get3A_196 : vector<16xi32> to vector<16xi32>
      %slice3A_198 = vector.extract_strided_slice %get3A_197 {offsets = [0], sizes = [1], strides = [1]} : vector<16xi32> to vector<1xi32>
      %squeeze3A_199 = vector.extract %slice3A_198[0] : i32 from vector<1xi32>
      %convert_element_type3A_200 = arith.sitofp %squeeze3A_199 : i32 to f32
      %get3A_201 = arith.index_cast %min3A_174 : i32 to index
      %get3A_202 = tpu.vector_load %arg21[%get3A_201] {strides = array<i32>} : memref<1296xf32, #tpu.memory_space<vmem>>, vector<16xf32>,
      %get3A_203 = vector.shape_cast %get3A_202 : vector<16xf32> to vector<16xf32>
      %slice3A_204 = vector.extract_strided_slice %get3A_203 {offsets = [0], sizes = [1], strides = [1]} : vector<16xf32> to vector<1xf32>
      %squeeze3A_205 = vector.extract %slice3A_204[0] : f32 from vector<1xf32>
      %eq3A_206 = arith.constant 0 : i32
      %eq3A_207 = vector.broadcast %eq3A_206 : i32 to vector<16xi32>
      %eq3A_208 = arith.cmpi eq, %iota3A_175, %eq3A_207 : vector<16xi32>
      %jit3A_209 = arith.constant 0.000000e+00 : f32
      %broadcast_in_dim3A_210 = vector.broadcast %squeeze3A : f32 to vector<16xf32>
      %broadcast_in_dim3A_211 = vector.broadcast %jit3A_209 : f32 to vector<16xf32>
      %select_n3A_212 = arith.select %eq3A_208, %broadcast_in_dim3A_210, %broadcast_in_dim3A_211 : vector<16xi1>, vector<16xf32>
      %eq3A_213 = arith.constant 1 : i32
      %eq3A_214 = vector.broadcast %eq3A_213 : i32 to vector<16xi32>
      %eq3A_215 = arith.cmpi eq, %iota3A_175, %eq3A_214 : vector<16xi32>
      %convert_element_type3A_216 = arith.sitofp %squeeze3A_172 : i32 to f32
      %broadcast_in_dim3A_217 = vector.broadcast %convert_element_type3A_216 : f32 to vector<16xf32>
      %select_n3A_218 = arith.select %eq3A_215, %broadcast_in_dim3A_217, %select_n3A_212 : vector<16xi1>, vector<16xf32>
      %eq3A_219 = arith.constant 2 : i32
      %eq3A_220 = vector.broadcast %eq3A_219 : i32 to vector<16xi32>
      %eq3A_221 = arith.cmpi eq, %iota3A_175, %eq3A_220 : vector<16xi32>
      %broadcast_in_dim3A_222 = vector.broadcast %squeeze3A_179 : f32 to vector<16xf32>
      %select_n3A_223 = arith.select %eq3A_221, %broadcast_in_dim3A_222, %select_n3A_218 : vector<16xi1>, vector<16xf32>
      %eq3A_224 = arith.constant 3 : i32
      %eq3A_225 = vector.broadcast %eq3A_224 : i32 to vector<16xi32>
      %eq3A_226 = arith.cmpi eq, %iota3A_175, %eq3A_225 : vector<16xi32>
      %broadcast_in_dim3A_227 = vector.broadcast %squeeze3A_184 : f32 to vector<16xf32>
      %select_n3A_228 = arith.select %eq3A_226, %broadcast_in_dim3A_227, %select_n3A_223 : vector<16xi1>, vector<16xf32>
      %eq3A_229 = arith.constant 4 : i32
      %eq3A_230 = vector.broadcast %eq3A_229 : i32 to vector<16xi32>
      %eq3A_231 = arith.cmpi eq, %iota3A_175, %eq3A_230 : vector<16xi32>
      %broadcast_in_dim3A_232 = vector.broadcast %squeeze3A_189 : f32 to vector<16xf32>
      %select_n3A_233 = arith.select %eq3A_231, %broadcast_in_dim3A_232, %select_n3A_228 : vector<16xi1>, vector<16xf32>
      %eq3A_234 = arith.constant 5 : i32
      %eq3A_235 = vector.broadcast %eq3A_234 : i32 to vector<16xi32>
      %eq3A_236 = arith.cmpi eq, %iota3A_175, %eq3A_235 : vector<16xi32>
      %broadcast_in_dim3A_237 = vector.broadcast %squeeze3A_194 : f32 to vector<16xf32>
      %select_n3A_238 = arith.select %eq3A_236, %broadcast_in_dim3A_237, %select_n3A_233 : vector<16xi1>, vector<16xf32>
      %eq3A_239 = arith.constant 6 : i32
      %eq3A_240 = vector.broadcast %eq3A_239 : i32 to vector<16xi32>
      %eq3A_241 = arith.cmpi eq, %iota3A_175, %eq3A_240 : vector<16xi32>
      %broadcast_in_dim3A_242 = vector.broadcast %convert_element_type3A_200 : f32 to vector<16xf32>
      %select_n3A_243 = arith.select %eq3A_241, %broadcast_in_dim3A_242, %select_n3A_238 : vector<16xi1>, vector<16xf32>
      %eq3A_244 = arith.constant 7 : i32
      %eq3A_245 = vector.broadcast %eq3A_244 : i32 to vector<16xi32>
      %eq3A_246 = arith.cmpi eq, %iota3A_175, %eq3A_245 : vector<16xi32>
      %broadcast_in_dim3A_247 = vector.broadcast %squeeze3A_205 : f32 to vector<16xf32>
      %select_n3A_248 = arith.select %eq3A_246, %broadcast_in_dim3A_247, %select_n3A_243 : vector<16xi1>, vector<16xf32>
      %swap3A = arith.constant 0 : index
      %swap3A_249 = tpu.vector_load %arg23[%swap3A] {strides = array<i32>} : memref<16xf32, #tpu.memory_space<vmem>>, vector<16xf32>,
      %swap3A_250 = vector.shape_cast %swap3A_249 : vector<16xf32> to vector<16xf32>
      %swap3A_251 = vector.shape_cast %select_n3A_248 : vector<16xf32> to vector<16xf32>
      tpu.vector_store %arg23[%swap3A], %swap3A_251 {strides = array<i32>} : memref<16xf32, #tpu.memory_space<vmem>>, vector<16xf32>,
      %add3A_252 = arith.constant 16 : i32
      %add3A_253 = arith.addi %add3A_252, %arg1 : i32
      "tpu.region"() ({
        %run_scoped3A = tpu.sem_alloc : memref<!tpu.dma_semaphore, #tpu.memory_space<semaphore_mem>>
        %dma_start3A = arith.constant 0 : i32
        %dma_start3A_508 = tpu.memref_slice %arg26[%add3A_253, %dma_start3A] : memref<32x16xf32, #tpu.memory_space<vmem_shared>> -> memref<1x16xf32, #tpu.memory_space<vmem_shared>>
        %dma_start3A_509 = tpu.memref_squeeze %dma_start3A_508 : memref<1x16xf32, #tpu.memory_space<vmem_shared>> -> memref<16xf32, #tpu.memory_space<vmem_shared>>
        %dma_start3A_510 = arith.constant 0 : i32
        %dma_start3A_511 = tpu.memref_slice %arg26[%add3A_253, %dma_start3A_510] : memref<32x16xf32, #tpu.memory_space<vmem_shared>> -> memref<1x16xf32, #tpu.memory_space<vmem_shared>>
        %dma_start3A_512 = tpu.memref_squeeze %dma_start3A_511 : memref<1x16xf32, #tpu.memory_space<vmem_shared>> -> memref<16xf32, #tpu.memory_space<vmem_shared>>
        tpu.enqueue_dma source(%arg23 : memref<16xf32, #tpu.memory_space<vmem>>) target(%dma_start3A_512 : memref<16xf32, #tpu.memory_space<vmem_shared>>) target_semaphore(%run_scoped3A : memref<!tpu.dma_semaphore, #tpu.memory_space<semaphore_mem>>)
        %dma_wait3A = arith.constant 0 : i32
        %dma_wait3A_513 = tpu.memref_slice %arg26[%add3A_253, %dma_wait3A] : memref<32x16xf32, #tpu.memory_space<vmem_shared>> -> memref<1x16xf32, #tpu.memory_space<vmem_shared>>
        %dma_wait3A_514 = tpu.memref_squeeze %dma_wait3A_513 : memref<1x16xf32, #tpu.memory_space<vmem_shared>> -> memref<16xf32, #tpu.memory_space<vmem_shared>>
        %dma_wait3A_515 = arith.constant 0 : i32
        %dma_wait3A_516 = tpu.memref_slice %arg26[%add3A_253, %dma_wait3A_515] : memref<32x16xf32, #tpu.memory_space<vmem_shared>> -> memref<1x16xf32, #tpu.memory_space<vmem_shared>>
        %dma_wait3A_517 = tpu.memref_squeeze %dma_wait3A_516 : memref<1x16xf32, #tpu.memory_space<vmem_shared>> -> memref<16xf32, #tpu.memory_space<vmem_shared>>
        tpu.wait_dma2 semaphore(%run_scoped3A : memref<!tpu.dma_semaphore, #tpu.memory_space<semaphore_mem>>) src(%arg23 : memref<16xf32, #tpu.memory_space<vmem>>) dst(%dma_wait3A_517 : memref<16xf32, #tpu.memory_space<vmem_shared>>)
        tpu.yield
      }) : () -> ()
      %barrier3A = arith.constant 0 : index
      tpu.barrier barrier_id(%barrier3A)
      %mul3A_254 = arith.constant 4 : i32
      %mul3A_255 = arith.muli %select_n3A, %mul3A_254 : i32
      %add3A_256 = arith.constant 16 : i32
      %add3A_257 = arith.addi %add3A_256, %mul3A_255 : i32
      "tpu.region"() ({
        %run_scoped3A = tpu.sem_alloc : memref<!tpu.dma_semaphore, #tpu.memory_space<semaphore_mem>>
        %dma_start3A = arith.constant 0 : i32
        %dma_start3A_508 = tpu.memref_slice %arg26[%add3A_257, %dma_start3A] : memref<32x16xf32, #tpu.memory_space<vmem_shared>> -> memref<4x16xf32, #tpu.memory_space<vmem_shared>>
        %dma_start3A_509 = arith.constant 0 : i32
        %dma_start3A_510 = tpu.memref_slice %arg26[%add3A_257, %dma_start3A_509] : memref<32x16xf32, #tpu.memory_space<vmem_shared>> -> memref<4x16xf32, #tpu.memory_space<vmem_shared>>
        tpu.enqueue_dma source(%dma_start3A_510 : memref<4x16xf32, #tpu.memory_space<vmem_shared>>) target(%arg24 : memref<4x16xf32, #tpu.memory_space<vmem>>) target_semaphore(%run_scoped3A : memref<!tpu.dma_semaphore, #tpu.memory_space<semaphore_mem>>)
        %dma_wait3A = arith.constant 0 : i32
        %dma_wait3A_511 = tpu.memref_slice %arg26[%add3A_257, %dma_wait3A] : memref<32x16xf32, #tpu.memory_space<vmem_shared>> -> memref<4x16xf32, #tpu.memory_space<vmem_shared>>
        %dma_wait3A_512 = arith.constant 0 : i32
        %dma_wait3A_513 = tpu.memref_slice %arg26[%add3A_257, %dma_wait3A_512] : memref<32x16xf32, #tpu.memory_space<vmem_shared>> -> memref<4x16xf32, #tpu.memory_space<vmem_shared>>
        tpu.wait_dma2 semaphore(%run_scoped3A : memref<!tpu.dma_semaphore, #tpu.memory_space<semaphore_mem>>) src(%dma_wait3A_513 : memref<4x16xf32, #tpu.memory_space<vmem_shared>>) dst(%arg24 : memref<4x16xf32, #tpu.memory_space<vmem>>)
        tpu.yield
      }) : () -> ()
      %get3A_258 = arith.constant 0 : i32
      %get3A_259 = arith.index_cast %get3A_258 : i32 to index
      %get3A_260 = arith.constant 0 : index
      %get3A_261 = tpu.vector_load %arg24[%get3A_259, %get3A_260] {strides = array<i32>} : memref<4x16xf32, #tpu.memory_space<vmem>>, vector<1x16xf32>,
      %get3A_262 = vector.shape_cast %get3A_261 : vector<1x16xf32> to vector<16xf32>
      %slice3A_263 = vector.extract_strided_slice %get3A_262 {offsets = [0], sizes = [1], strides = [1]} : vector<16xf32> to vector<1xf32>
      %squeeze3A_264 = vector.extract %slice3A_263[0] : f32 from vector<1xf32>
      %slice3A_265 = vector.extract_strided_slice %get3A_262 {offsets = [1], sizes = [1], strides = [1]} : vector<16xf32> to vector<1xf32>
      %squeeze3A_266 = vector.extract %slice3A_265[0] : f32 from vector<1xf32>
      %get3A_267 = arith.constant 1 : i32
      %get3A_268 = arith.index_cast %get3A_267 : i32 to index
      %get3A_269 = arith.constant 0 : index
      %get3A_270 = tpu.vector_load %arg24[%get3A_268, %get3A_269] {strides = array<i32>} : memref<4x16xf32, #tpu.memory_space<vmem>>, vector<1x16xf32>,
      %get3A_271 = vector.shape_cast %get3A_270 : vector<1x16xf32> to vector<16xf32>
      %slice3A_272 = vector.extract_strided_slice %get3A_271 {offsets = [0], sizes = [1], strides = [1]} : vector<16xf32> to vector<1xf32>
      %squeeze3A_273 = vector.extract %slice3A_272[0] : f32 from vector<1xf32>
      %slice3A_274 = vector.extract_strided_slice %get3A_271 {offsets = [1], sizes = [1], strides = [1]} : vector<16xf32> to vector<1xf32>
      %squeeze3A_275 = vector.extract %slice3A_274[0] : f32 from vector<1xf32>
      %gt3A_276 = arith.cmpf ogt, %squeeze3A_273, %squeeze3A_264 : f32
      %eq3A_277 = arith.cmpf oeq, %squeeze3A_273, %squeeze3A_264 : f32
      %lt3A_278 = arith.cmpf olt, %squeeze3A_275, %squeeze3A_266 : f32
      %and3A_279 = arith.andi %eq3A_277, %lt3A_278 : i1
      %or3A_280 = arith.ori %gt3A_276, %and3A_279 : i1
      %jit3A_281 = arith.constant 1.000000e+00 : f32
      %jit3A_282 = arith.constant 0.000000e+00 : f32
      %select_n3A_283 = arith.select %or3A_280, %jit3A_281, %jit3A_282 : f32
      %sub3A_284 = arith.constant 1.000000e+00 : f32
      %sub3A_285 = arith.subf %sub3A_284, %select_n3A_283 : f32
      %mul3A_286 = vector.broadcast %sub3A_285 : f32 to vector<16xf32>
      %mul3A_287 = arith.mulf %get3A_262, %mul3A_286 : vector<16xf32>
      %mul3A_288 = vector.broadcast %select_n3A_283 : f32 to vector<16xf32>
      %mul3A_289 = arith.mulf %get3A_271, %mul3A_288 : vector<16xf32>
      %add3A_290 = arith.addf %mul3A_287, %mul3A_289 : vector<16xf32>
      %select_n3A_291 = arith.select %or3A_280, %squeeze3A_273, %squeeze3A_264 : f32
      %select_n3A_292 = arith.select %or3A_280, %squeeze3A_275, %squeeze3A_266 : f32
      %get3A_293 = arith.constant 2 : i32
      %get3A_294 = arith.index_cast %get3A_293 : i32 to index
      %get3A_295 = arith.constant 0 : index
      %get3A_296 = tpu.vector_load %arg24[%get3A_294, %get3A_295] {strides = array<i32>} : memref<4x16xf32, #tpu.memory_space<vmem>>, vector<1x16xf32>,
      %get3A_297 = vector.shape_cast %get3A_296 : vector<1x16xf32> to vector<16xf32>
      %slice3A_298 = vector.extract_strided_slice %get3A_297 {offsets = [0], sizes = [1], strides = [1]} : vector<16xf32> to vector<1xf32>
      %squeeze3A_299 = vector.extract %slice3A_298[0] : f32 from vector<1xf32>
      %slice3A_300 = vector.extract_strided_slice %get3A_297 {offsets = [1], sizes = [1], strides = [1]} : vector<16xf32> to vector<1xf32>
      %squeeze3A_301 = vector.extract %slice3A_300[0] : f32 from vector<1xf32>
      %gt3A_302 = arith.cmpf ogt, %squeeze3A_299, %select_n3A_291 : f32
      %eq3A_303 = arith.cmpf oeq, %squeeze3A_299, %select_n3A_291 : f32
      %lt3A_304 = arith.cmpf olt, %squeeze3A_301, %select_n3A_292 : f32
      %and3A_305 = arith.andi %eq3A_303, %lt3A_304 : i1
      %or3A_306 = arith.ori %gt3A_302, %and3A_305 : i1
      %jit3A_307 = arith.constant 1.000000e+00 : f32
      %jit3A_308 = arith.constant 0.000000e+00 : f32
      %select_n3A_309 = arith.select %or3A_306, %jit3A_307, %jit3A_308 : f32
      %sub3A_310 = arith.constant 1.000000e+00 : f32
      %sub3A_311 = arith.subf %sub3A_310, %select_n3A_309 : f32
      %mul3A_312 = vector.broadcast %sub3A_311 : f32 to vector<16xf32>
      %mul3A_313 = arith.mulf %add3A_290, %mul3A_312 : vector<16xf32>
      %mul3A_314 = vector.broadcast %select_n3A_309 : f32 to vector<16xf32>
      %mul3A_315 = arith.mulf %get3A_297, %mul3A_314 : vector<16xf32>
      %add3A_316 = arith.addf %mul3A_313, %mul3A_315 : vector<16xf32>
      %select_n3A_317 = arith.select %or3A_306, %squeeze3A_299, %select_n3A_291 : f32
      %select_n3A_318 = arith.select %or3A_306, %squeeze3A_301, %select_n3A_292 : f32
      %get3A_319 = arith.constant 3 : i32
      %get3A_320 = arith.index_cast %get3A_319 : i32 to index
      %get3A_321 = arith.constant 0 : index
      %get3A_322 = tpu.vector_load %arg24[%get3A_320, %get3A_321] {strides = array<i32>} : memref<4x16xf32, #tpu.memory_space<vmem>>, vector<1x16xf32>,
      %get3A_323 = vector.shape_cast %get3A_322 : vector<1x16xf32> to vector<16xf32>
      %slice3A_324 = vector.extract_strided_slice %get3A_323 {offsets = [0], sizes = [1], strides = [1]} : vector<16xf32> to vector<1xf32>
      %squeeze3A_325 = vector.extract %slice3A_324[0] : f32 from vector<1xf32>
      %slice3A_326 = vector.extract_strided_slice %get3A_323 {offsets = [1], sizes = [1], strides = [1]} : vector<16xf32> to vector<1xf32>
      %squeeze3A_327 = vector.extract %slice3A_326[0] : f32 from vector<1xf32>
      %gt3A_328 = arith.cmpf ogt, %squeeze3A_325, %select_n3A_317 : f32
      %eq3A_329 = arith.cmpf oeq, %squeeze3A_325, %select_n3A_317 : f32
      %lt3A_330 = arith.cmpf olt, %squeeze3A_327, %select_n3A_318 : f32
      %and3A_331 = arith.andi %eq3A_329, %lt3A_330 : i1
      %or3A_332 = arith.ori %gt3A_328, %and3A_331 : i1
      %jit3A_333 = arith.constant 1.000000e+00 : f32
      %jit3A_334 = arith.constant 0.000000e+00 : f32
      %select_n3A_335 = arith.select %or3A_332, %jit3A_333, %jit3A_334 : f32
      %sub3A_336 = arith.constant 1.000000e+00 : f32
      %sub3A_337 = arith.subf %sub3A_336, %select_n3A_335 : f32
      %mul3A_338 = vector.broadcast %sub3A_337 : f32 to vector<16xf32>
      %mul3A_339 = arith.mulf %add3A_316, %mul3A_338 : vector<16xf32>
      %mul3A_340 = vector.broadcast %select_n3A_335 : f32 to vector<16xf32>
      %mul3A_341 = arith.mulf %get3A_323, %mul3A_340 : vector<16xf32>
      %add3A_342 = arith.addf %mul3A_339, %mul3A_341 : vector<16xf32>
      %select_n3A_343 = arith.select %or3A_332, %squeeze3A_325, %select_n3A_317 : f32
      %select_n3A_344 = arith.select %or3A_332, %squeeze3A_327, %select_n3A_318 : f32
      %slice3A_345 = vector.extract_strided_slice %add3A_342 {offsets = [2], sizes = [1], strides = [1]} : vector<16xf32> to vector<1xf32>
      %squeeze3A_346 = vector.extract %slice3A_345[0] : f32 from vector<1xf32>
      %slice3A_347 = vector.extract_strided_slice %add3A_342 {offsets = [3], sizes = [1], strides = [1]} : vector<16xf32> to vector<1xf32>
      %squeeze3A_348 = vector.extract %slice3A_347[0] : f32 from vector<1xf32>
      %slice3A_349 = vector.extract_strided_slice %add3A_342 {offsets = [4], sizes = [1], strides = [1]} : vector<16xf32> to vector<1xf32>
      %squeeze3A_350 = vector.extract %slice3A_349[0] : f32 from vector<1xf32>
      %slice3A_351 = vector.extract_strided_slice %add3A_342 {offsets = [5], sizes = [1], strides = [1]} : vector<16xf32> to vector<1xf32>
      %squeeze3A_352 = vector.extract %slice3A_351[0] : f32 from vector<1xf32>
      %slice3A_353 = vector.extract_strided_slice %add3A_342 {offsets = [6], sizes = [1], strides = [1]} : vector<16xf32> to vector<1xf32>
      %squeeze3A_354 = vector.extract %slice3A_353[0] : f32 from vector<1xf32>
      %slice3A_355 = vector.extract_strided_slice %add3A_342 {offsets = [7], sizes = [1], strides = [1]} : vector<16xf32> to vector<1xf32>
      %squeeze3A_356 = vector.extract %slice3A_355[0] : f32 from vector<1xf32>
      %gt3A_357 = arith.constant -1.000000e+29 : f32
      %gt3A_358 = arith.cmpf ogt, %select_n3A_343, %gt3A_357 : f32
      %jit3A_359 = arith.constant 5.000000e-01 : f32
      %jit3A_360 = arith.constant 1.000000e+30 : f32
      %select_n3A_361 = arith.select %gt3A_358, %jit3A_359, %jit3A_360 : f32
      %jit3A_362 = arith.constant 16 : i32
      %div3A_363 = arith.divsi %scan3A_51, %jit3A_362 : i32
      %sign3A_364 = arith.constant 0 : i32
      %sign3A_365 = arith.cmpi sgt, %scan3A_51, %sign3A_364 : i32
      %sign3A_366 = arith.extui %sign3A_365 : i1 to i32
      %sign3A_367 = arith.constant 0 : i32
      %sign3A_368 = arith.cmpi slt, %scan3A_51, %sign3A_367 : i32
      %sign3A_369 = arith.extui %sign3A_368 : i1 to i32
      %sign3A_370 = arith.subi %sign3A_366, %sign3A_369 : i32
      %sign3A_371 = arith.constant 0 : i32
      %sign3A_372 = arith.cmpi sgt, %jit3A_362, %sign3A_371 : i32
      %sign3A_373 = arith.extui %sign3A_372 : i1 to i32
      %sign3A_374 = arith.constant 0 : i32
      %sign3A_375 = arith.cmpi slt, %jit3A_362, %sign3A_374 : i32
      %sign3A_376 = arith.extui %sign3A_375 : i1 to i32
      %sign3A_377 = arith.subi %sign3A_373, %sign3A_376 : i32
      %ne3A_378 = arith.cmpi ne, %sign3A_370, %sign3A_377 : i32
      %rem3A_379 = arith.remsi %scan3A_51, %jit3A_362 : i32
      %ne3A_380 = arith.constant 0 : i32
      %ne3A_381 = arith.cmpi ne, %rem3A_379, %ne3A_380 : i32
      %and3A_382 = arith.andi %ne3A_378, %ne3A_381 : i1
      %sub3A_383 = arith.constant 1 : i32
      %sub3A_384 = arith.subi %div3A_363, %sub3A_383 : i32
      %select_n3A_385 = arith.select %and3A_382, %sub3A_384, %div3A_363 : i32
      %mul3A_386 = arith.constant 16 : i32
      %mul3A_387 = arith.muli %select_n3A_385, %mul3A_386 : i32
      %rem3A_388 = arith.constant 16 : i32
      %rem3A_389 = arith.remsi %scan3A_51, %rem3A_388 : i32
      %eq3A_390 = vector.broadcast %rem3A_389 : i32 to vector<16xi32>
      %eq3A_391 = arith.cmpi eq, %iota3A_175, %eq3A_390 : vector<16xi32>
      %jit3A_392 = arith.constant 0.000000e+00 : f32
      %select_n3A_393 = arith.select %gt3A_358, %select_n3A_343, %jit3A_392 : f32
      %get3A_394 = arith.constant 0 : i32
      %get3A_395 = arith.index_cast %get3A_394 : i32 to index
      %get3A_396 = arith.index_cast %mul3A_387 : i32 to index
      %get3A_397 = tpu.vector_load %arg25[%get3A_395, %get3A_396] {strides = array<i32>} : memref<7x128xf32, #tpu.memory_space<vmem>>, vector<1x16xf32>,
      %get3A_398 = vector.shape_cast %get3A_397 : vector<1x16xf32> to vector<16xf32>
      %broadcast_in_dim3A_399 = vector.broadcast %select_n3A_393 : f32 to vector<16xf32>
      %select_n3A_400 = arith.select %eq3A_391, %broadcast_in_dim3A_399, %get3A_398 : vector<16xi1>, vector<16xf32>
      %swap3A_401 = arith.constant 0 : i32
      %swap3A_402 = arith.index_cast %swap3A_401 : i32 to index
      %swap3A_403 = arith.index_cast %mul3A_387 : i32 to index
      %swap3A_404 = tpu.vector_load %arg25[%swap3A_402, %swap3A_403] {strides = array<i32>} : memref<7x128xf32, #tpu.memory_space<vmem>>, vector<1x16xf32>,
      %swap3A_405 = vector.shape_cast %swap3A_404 : vector<1x16xf32> to vector<16xf32>
      %swap3A_406 = vector.shape_cast %select_n3A_400 : vector<16xf32> to vector<1x16xf32>
      tpu.vector_store %arg25[%swap3A_402, %swap3A_403], %swap3A_406 {strides = array<i32>} : memref<7x128xf32, #tpu.memory_space<vmem>>, vector<1x16xf32>,
      %jit3A_407 = arith.constant -1.000000e+00 : f32
      %select_n3A_408 = arith.select %gt3A_358, %select_n3A_344, %jit3A_407 : f32
      %get3A_409 = arith.constant 1 : i32
      %get3A_410 = arith.index_cast %get3A_409 : i32 to index
      %get3A_411 = arith.index_cast %mul3A_387 : i32 to index
      %get3A_412 = tpu.vector_load %arg25[%get3A_410, %get3A_411] {strides = array<i32>} : memref<7x128xf32, #tpu.memory_space<vmem>>, vector<1x16xf32>,
      %get3A_413 = vector.shape_cast %get3A_412 : vector<1x16xf32> to vector<16xf32>
      %broadcast_in_dim3A_414 = vector.broadcast %select_n3A_408 : f32 to vector<16xf32>
      %select_n3A_415 = arith.select %eq3A_391, %broadcast_in_dim3A_414, %get3A_413 : vector<16xi1>, vector<16xf32>
      %swap3A_416 = arith.constant 1 : i32
      %swap3A_417 = arith.index_cast %swap3A_416 : i32 to index
      %swap3A_418 = arith.index_cast %mul3A_387 : i32 to index
      %swap3A_419 = tpu.vector_load %arg25[%swap3A_417, %swap3A_418] {strides = array<i32>} : memref<7x128xf32, #tpu.memory_space<vmem>>, vector<1x16xf32>,
      %swap3A_420 = vector.shape_cast %swap3A_419 : vector<1x16xf32> to vector<16xf32>
      %swap3A_421 = vector.shape_cast %select_n3A_415 : vector<16xf32> to vector<1x16xf32>
      tpu.vector_store %arg25[%swap3A_417, %swap3A_418], %swap3A_421 {strides = array<i32>} : memref<7x128xf32, #tpu.memory_space<vmem>>, vector<1x16xf32>,
      %jit3A_422 = arith.constant 0.000000e+00 : f32
      %select_n3A_423 = arith.select %gt3A_358, %squeeze3A_346, %jit3A_422 : f32
      %get3A_424 = arith.constant 2 : i32
      %get3A_425 = arith.index_cast %get3A_424 : i32 to index
      %get3A_426 = arith.index_cast %mul3A_387 : i32 to index
      %get3A_427 = tpu.vector_load %arg25[%get3A_425, %get3A_426] {strides = array<i32>} : memref<7x128xf32, #tpu.memory_space<vmem>>, vector<1x16xf32>,
      %get3A_428 = vector.shape_cast %get3A_427 : vector<1x16xf32> to vector<16xf32>
      %broadcast_in_dim3A_429 = vector.broadcast %select_n3A_423 : f32 to vector<16xf32>
      %select_n3A_430 = arith.select %eq3A_391, %broadcast_in_dim3A_429, %get3A_428 : vector<16xi1>, vector<16xf32>
      %swap3A_431 = arith.constant 2 : i32
      %swap3A_432 = arith.index_cast %swap3A_431 : i32 to index
      %swap3A_433 = arith.index_cast %mul3A_387 : i32 to index
      %swap3A_434 = tpu.vector_load %arg25[%swap3A_432, %swap3A_433] {strides = array<i32>} : memref<7x128xf32, #tpu.memory_space<vmem>>, vector<1x16xf32>,
      %swap3A_435 = vector.shape_cast %swap3A_434 : vector<1x16xf32> to vector<16xf32>
      %swap3A_436 = vector.shape_cast %select_n3A_430 : vector<16xf32> to vector<1x16xf32>
      tpu.vector_store %arg25[%swap3A_432, %swap3A_433], %swap3A_436 {strides = array<i32>} : memref<7x128xf32, #tpu.memory_space<vmem>>, vector<1x16xf32>,
      %jit3A_437 = arith.constant 0.000000e+00 : f32
      %select_n3A_438 = arith.select %gt3A_358, %squeeze3A_348, %jit3A_437 : f32
      %get3A_439 = arith.constant 3 : i32
      %get3A_440 = arith.index_cast %get3A_439 : i32 to index
      %get3A_441 = arith.index_cast %mul3A_387 : i32 to index
      %get3A_442 = tpu.vector_load %arg25[%get3A_440, %get3A_441] {strides = array<i32>} : memref<7x128xf32, #tpu.memory_space<vmem>>, vector<1x16xf32>,
      %get3A_443 = vector.shape_cast %get3A_442 : vector<1x16xf32> to vector<16xf32>
      %broadcast_in_dim3A_444 = vector.broadcast %select_n3A_438 : f32 to vector<16xf32>
      %select_n3A_445 = arith.select %eq3A_391, %broadcast_in_dim3A_444, %get3A_443 : vector<16xi1>, vector<16xf32>
      %swap3A_446 = arith.constant 3 : i32
      %swap3A_447 = arith.index_cast %swap3A_446 : i32 to index
      %swap3A_448 = arith.index_cast %mul3A_387 : i32 to index
      %swap3A_449 = tpu.vector_load %arg25[%swap3A_447, %swap3A_448] {strides = array<i32>} : memref<7x128xf32, #tpu.memory_space<vmem>>, vector<1x16xf32>,
      %swap3A_450 = vector.shape_cast %swap3A_449 : vector<1x16xf32> to vector<16xf32>
      %swap3A_451 = vector.shape_cast %select_n3A_445 : vector<16xf32> to vector<1x16xf32>
      tpu.vector_store %arg25[%swap3A_447, %swap3A_448], %swap3A_451 {strides = array<i32>} : memref<7x128xf32, #tpu.memory_space<vmem>>, vector<1x16xf32>,
      %jit3A_452 = arith.constant 0.000000e+00 : f32
      %select_n3A_453 = arith.select %gt3A_358, %squeeze3A_350, %jit3A_452 : f32
      %get3A_454 = arith.constant 4 : i32
      %get3A_455 = arith.index_cast %get3A_454 : i32 to index
      %get3A_456 = arith.index_cast %mul3A_387 : i32 to index
      %get3A_457 = tpu.vector_load %arg25[%get3A_455, %get3A_456] {strides = array<i32>} : memref<7x128xf32, #tpu.memory_space<vmem>>, vector<1x16xf32>,
      %get3A_458 = vector.shape_cast %get3A_457 : vector<1x16xf32> to vector<16xf32>
      %broadcast_in_dim3A_459 = vector.broadcast %select_n3A_453 : f32 to vector<16xf32>
      %select_n3A_460 = arith.select %eq3A_391, %broadcast_in_dim3A_459, %get3A_458 : vector<16xi1>, vector<16xf32>
      %swap3A_461 = arith.constant 4 : i32
      %swap3A_462 = arith.index_cast %swap3A_461 : i32 to index
      %swap3A_463 = arith.index_cast %mul3A_387 : i32 to index
      %swap3A_464 = tpu.vector_load %arg25[%swap3A_462, %swap3A_463] {strides = array<i32>} : memref<7x128xf32, #tpu.memory_space<vmem>>, vector<1x16xf32>,
      %swap3A_465 = vector.shape_cast %swap3A_464 : vector<1x16xf32> to vector<16xf32>
      %swap3A_466 = vector.shape_cast %select_n3A_460 : vector<16xf32> to vector<1x16xf32>
      tpu.vector_store %arg25[%swap3A_462, %swap3A_463], %swap3A_466 {strides = array<i32>} : memref<7x128xf32, #tpu.memory_space<vmem>>, vector<1x16xf32>,
      %jit3A_467 = arith.constant 0.000000e+00 : f32
      %select_n3A_468 = arith.select %gt3A_358, %squeeze3A_352, %jit3A_467 : f32
      %get3A_469 = arith.constant 5 : i32
      %get3A_470 = arith.index_cast %get3A_469 : i32 to index
      %get3A_471 = arith.index_cast %mul3A_387 : i32 to index
      %get3A_472 = tpu.vector_load %arg25[%get3A_470, %get3A_471] {strides = array<i32>} : memref<7x128xf32, #tpu.memory_space<vmem>>, vector<1x16xf32>,
      %get3A_473 = vector.shape_cast %get3A_472 : vector<1x16xf32> to vector<16xf32>
      %broadcast_in_dim3A_474 = vector.broadcast %select_n3A_468 : f32 to vector<16xf32>
      %select_n3A_475 = arith.select %eq3A_391, %broadcast_in_dim3A_474, %get3A_473 : vector<16xi1>, vector<16xf32>
      %swap3A_476 = arith.constant 5 : i32
      %swap3A_477 = arith.index_cast %swap3A_476 : i32 to index
      %swap3A_478 = arith.index_cast %mul3A_387 : i32 to index
      %swap3A_479 = tpu.vector_load %arg25[%swap3A_477, %swap3A_478] {strides = array<i32>} : memref<7x128xf32, #tpu.memory_space<vmem>>, vector<1x16xf32>,
      %swap3A_480 = vector.shape_cast %swap3A_479 : vector<1x16xf32> to vector<16xf32>
      %swap3A_481 = vector.shape_cast %select_n3A_475 : vector<16xf32> to vector<1x16xf32>
      tpu.vector_store %arg25[%swap3A_477, %swap3A_478], %swap3A_481 {strides = array<i32>} : memref<7x128xf32, #tpu.memory_space<vmem>>, vector<1x16xf32>,
      %jit3A_482 = arith.constant -1.000000e+00 : f32
      %select_n3A_483 = arith.select %gt3A_358, %squeeze3A_354, %jit3A_482 : f32
      %get3A_484 = arith.constant 6 : i32
      %get3A_485 = arith.index_cast %get3A_484 : i32 to index
      %get3A_486 = arith.index_cast %mul3A_387 : i32 to index
      %get3A_487 = tpu.vector_load %arg25[%get3A_485, %get3A_486] {strides = array<i32>} : memref<7x128xf32, #tpu.memory_space<vmem>>, vector<1x16xf32>,
      %get3A_488 = vector.shape_cast %get3A_487 : vector<1x16xf32> to vector<16xf32>
      %broadcast_in_dim3A_489 = vector.broadcast %select_n3A_483 : f32 to vector<16xf32>
      %select_n3A_490 = arith.select %eq3A_391, %broadcast_in_dim3A_489, %get3A_488 : vector<16xi1>, vector<16xf32>
      %swap3A_491 = arith.constant 6 : i32
      %swap3A_492 = arith.index_cast %swap3A_491 : i32 to index
      %swap3A_493 = arith.index_cast %mul3A_387 : i32 to index
      %swap3A_494 = tpu.vector_load %arg25[%swap3A_492, %swap3A_493] {strides = array<i32>} : memref<7x128xf32, #tpu.memory_space<vmem>>, vector<1x16xf32>,
      %swap3A_495 = vector.shape_cast %swap3A_494 : vector<1x16xf32> to vector<16xf32>
      %swap3A_496 = vector.shape_cast %select_n3A_490 : vector<16xf32> to vector<1x16xf32>
      tpu.vector_store %arg25[%swap3A_492, %swap3A_493], %swap3A_496 {strides = array<i32>} : memref<7x128xf32, #tpu.memory_space<vmem>>, vector<1x16xf32>,
      %jit3A_497 = arith.constant 1 : i32
      %jit3A_498 = arith.constant 0 : i32
      %select_n3A_499 = arith.select %gt3A_358, %jit3A_497, %jit3A_498 : i32
      %add3A_500 = arith.addi %scan3A_54, %select_n3A_499 : i32
      %scan3A_501 = arith.constant 0 : i32
      %scan3A_502 = arith.constant 80 : i32
      %scan3A_503 = arith.addi %scan3A_501, %scan3A_502 : i32
      %scan3A_504 = arith.constant 1 : i32
      %scan3A_505:2 = scf.for %scan3A_508 = %scan3A_501 to %scan3A_503 step %scan3A_504 iter_args(%scan3A_509 = %broadcast_in_dim3A_33, %scan3A_510 = %broadcast_in_dim3A_35) -> (vector<16xf32>, vector<16xi32>)  : i32 {
        %mul3A_511 = arith.constant 16 : i32
        %mul3A_512 = arith.muli %scan3A_508, %mul3A_511 : i32
        %get3A_513 = arith.index_cast %mul3A_512 : i32 to index
        %get3A_514 = tpu.vector_load %arg17[%get3A_513] {strides = array<i32>} : memref<1296xf32, #tpu.memory_space<vmem>>, vector<16xf32>,
        %get3A_515 = vector.shape_cast %get3A_514 : vector<16xf32> to vector<16xf32>
        %get3A_516 = arith.index_cast %mul3A_512 : i32 to index
        %get3A_517 = tpu.vector_load %arg18[%get3A_516] {strides = array<i32>} : memref<1296xf32, #tpu.memory_space<vmem>>, vector<16xf32>,
        %get3A_518 = vector.shape_cast %get3A_517 : vector<16xf32> to vector<16xf32>
        %get3A_519 = arith.index_cast %mul3A_512 : i32 to index
        %get3A_520 = tpu.vector_load %arg19[%get3A_519] {strides = array<i32>} : memref<1296xf32, #tpu.memory_space<vmem>>, vector<16xf32>,
        %get3A_521 = vector.shape_cast %get3A_520 : vector<16xf32> to vector<16xf32>
        %get3A_522 = arith.index_cast %mul3A_512 : i32 to index
        %get3A_523 = tpu.vector_load %arg20[%get3A_522] {strides = array<i32>} : memref<1296xf32, #tpu.memory_space<vmem>>, vector<16xf32>,
        %get3A_524 = vector.shape_cast %get3A_523 : vector<16xf32> to vector<16xf32>
        %get3A_525 = arith.index_cast %mul3A_512 : i32 to index
        %get3A_526 = tpu.vector_load %arg21[%get3A_525] {strides = array<i32>} : memref<1296xf32, #tpu.memory_space<vmem>>, vector<16xf32>,
        %get3A_527 = vector.shape_cast %get3A_526 : vector<16xf32> to vector<16xf32>
        %get3A_528 = arith.index_cast %mul3A_512 : i32 to index
        %get3A_529 = tpu.vector_load %arg16[%get3A_528] {strides = array<i32>} : memref<1280xf32, #tpu.memory_space<vmem>>, vector<16xf32>,
        %get3A_530 = vector.shape_cast %get3A_529 : vector<16xf32> to vector<16xf32>
        %min3A_531 = vector.broadcast %squeeze3A_350 : f32 to vector<16xf32>
        %min3A_532 = arith.minimumf %min3A_531, %get3A_521 : vector<16xf32>
        %max3A = vector.broadcast %squeeze3A_346 : f32 to vector<16xf32>
        %max3A_533 = arith.maximumf %max3A, %get3A_515 : vector<16xf32>
        %sub3A_534 = arith.subf %min3A_532, %max3A_533 : vector<16xf32>
        %min3A_535 = vector.broadcast %squeeze3A_352 : f32 to vector<16xf32>
        %min3A_536 = arith.minimumf %min3A_535, %get3A_524 : vector<16xf32>
        %max3A_537 = vector.broadcast %squeeze3A_348 : f32 to vector<16xf32>
        %max3A_538 = arith.maximumf %max3A_537, %get3A_518 : vector<16xf32>
        %sub3A_539 = arith.subf %min3A_536, %max3A_538 : vector<16xf32>
        %max3A_540 = arith.constant 0.000000e+00 : f32
        %max3A_541 = vector.broadcast %max3A_540 : f32 to vector<16xf32>
        %max3A_542 = arith.maximumf %sub3A_534, %max3A_541 : vector<16xf32>
        %max3A_543 = arith.constant 0.000000e+00 : f32
        %max3A_544 = vector.broadcast %max3A_543 : f32 to vector<16xf32>
        %max3A_545 = arith.maximumf %sub3A_539, %max3A_544 : vector<16xf32>
        %mul3A_546 = arith.mulf %max3A_542, %max3A_545 : vector<16xf32>
        %add3A_547 = vector.broadcast %squeeze3A_356 : f32 to vector<16xf32>
        %add3A_548 = arith.addf %add3A_547, %get3A_527 : vector<16xf32>
        %sub3A_549 = arith.subf %add3A_548, %mul3A_546 : vector<16xf32>
        %mul3A_550 = vector.broadcast %select_n3A_361 : f32 to vector<16xf32>
        %mul3A_551 = arith.mulf %mul3A_550, %sub3A_549 : vector<16xf32>
        %gt3A_552 = arith.cmpf ogt, %mul3A_546, %mul3A_551 : vector<16xf32>
        %jit3A_553 = arith.constant -1.000000e+30 : f32
        %broadcast_in_dim3A_554 = vector.broadcast %jit3A_553 : f32 to vector<16xf32>
        %select_n3A_555 = arith.select %gt3A_552, %broadcast_in_dim3A_554, %get3A_530 : vector<16xi1>, vector<16xf32>
        %swap3A_556 = arith.index_cast %mul3A_512 : i32 to index
        %swap3A_557 = tpu.vector_load %arg16[%swap3A_556] {strides = array<i32>} : memref<1280xf32, #tpu.memory_space<vmem>>, vector<16xf32>,
        %swap3A_558 = vector.shape_cast %swap3A_557 : vector<16xf32> to vector<16xf32>
        %swap3A_559 = vector.shape_cast %select_n3A_555 : vector<16xf32> to vector<16xf32>
        tpu.vector_store %arg16[%swap3A_556], %swap3A_559 {strides = array<i32>} : memref<1280xf32, #tpu.memory_space<vmem>>, vector<16xf32>,
        %iota3A_560 = tpu.iota {dimensions = array<i32: 0>} : vector<16xi32>
        %mul3A_561 = arith.constant 16 : i32
        %mul3A_562 = arith.muli %scan3A_508, %mul3A_561 : i32
        %add3A_563 = arith.addi %mul3A_32, %mul3A_562 : i32
        %add3A_564 = vector.broadcast %add3A_563 : i32 to vector<16xi32>
        %add3A_565 = arith.addi %iota3A_560, %add3A_564 : vector<16xi32>
        %gt3A_566 = arith.cmpf ogt, %select_n3A_555, %scan3A_509 : vector<16xf32>
        %select_n3A_567 = arith.select %gt3A_566, %select_n3A_555, %scan3A_509 : vector<16xi1>, vector<16xf32>
        %select_n3A_568 = arith.select %gt3A_566, %add3A_565, %scan3A_510 : vector<16xi1>, vector<16xi32>
        scf.yield %select_n3A_567, %select_n3A_568 : vector<16xf32>, vector<16xi32>
      }
      %scan3A_506 = arith.constant 80 : i32
      %barrier3A_507 = arith.constant 0 : index
      tpu.barrier barrier_id(%barrier3A_507)
      scf.yield %scan3A_505#0, %scan3A_505#1, %add3A_500 : vector<16xf32>, vector<16xi32>, i32
    }
    %scan3A_47 = arith.constant 100 : i32
    %eq3A_48 = arith.constant 0 : i32
    %eq3A_49 = arith.cmpi eq, %select_n3A_28, %eq3A_48 : i32
    %convert_element_type3A = arith.extui %eq3A_49 : i1 to i32
    %cond3A = arith.constant 0 : i32
    %cond3A_50 = arith.cmpi ne, %convert_element_type3A, %cond3A : i32
    scf.if %cond3A_50 {
      %run_scoped3A = arith.constant 0 : i32
      "tpu.region"() ({
        %run_scoped3A_68 = tpu.sem_alloc : memref<!tpu.dma_semaphore, #tpu.memory_space<semaphore_mem>>
        %dma_start3A = arith.constant 0 : i32
        %dma_start3A_69 = tpu.memref_slice %arg25[%run_scoped3A, %dma_start3A] : memref<7x128xf32, #tpu.memory_space<vmem>> -> memref<1x128xf32, #tpu.memory_space<vmem>>
        %dma_start3A_70 = tpu.memref_squeeze %dma_start3A_69 : memref<1x128xf32, #tpu.memory_space<vmem>> -> memref<128xf32, #tpu.memory_space<vmem>>
        %dma_start3A_71 = arith.constant 0 : i32
        %dma_start3A_72 = tpu.memref_slice %arg9[%add3A_30, %dma_start3A_71] : memref<8x128xf32, #tpu.memory_space<hbm>> -> memref<1x128xf32, #tpu.memory_space<hbm>>
        %dma_start3A_73 = tpu.memref_squeeze %dma_start3A_72 : memref<1x128xf32, #tpu.memory_space<hbm>> -> memref<128xf32, #tpu.memory_space<hbm>>
        %dma_start3A_74 = arith.constant 0 : i32
        %dma_start3A_75 = tpu.memref_slice %arg9[%add3A_30, %dma_start3A_74] : memref<8x128xf32, #tpu.memory_space<hbm>> -> memref<1x128xf32, #tpu.memory_space<hbm>>
        %dma_start3A_76 = tpu.memref_squeeze %dma_start3A_75 : memref<1x128xf32, #tpu.memory_space<hbm>> -> memref<128xf32, #tpu.memory_space<hbm>>
        %dma_start3A_77 = arith.constant 0 : i32
        %dma_start3A_78 = tpu.memref_slice %arg25[%run_scoped3A, %dma_start3A_77] : memref<7x128xf32, #tpu.memory_space<vmem>> -> memref<1x128xf32, #tpu.memory_space<vmem>>
        %dma_start3A_79 = tpu.memref_squeeze %dma_start3A_78 : memref<1x128xf32, #tpu.memory_space<vmem>> -> memref<128xf32, #tpu.memory_space<vmem>>
        tpu.enqueue_dma source(%dma_start3A_79 : memref<128xf32, #tpu.memory_space<vmem>>) target(%dma_start3A_76 : memref<128xf32, #tpu.memory_space<hbm>>) target_semaphore(%run_scoped3A_68 : memref<!tpu.dma_semaphore, #tpu.memory_space<semaphore_mem>>)
        %dma_wait3A = arith.constant 0 : i32
        %dma_wait3A_80 = tpu.memref_slice %arg25[%run_scoped3A, %dma_wait3A] : memref<7x128xf32, #tpu.memory_space<vmem>> -> memref<1x128xf32, #tpu.memory_space<vmem>>
        %dma_wait3A_81 = tpu.memref_squeeze %dma_wait3A_80 : memref<1x128xf32, #tpu.memory_space<vmem>> -> memref<128xf32, #tpu.memory_space<vmem>>
        %dma_wait3A_82 = arith.constant 0 : i32
        %dma_wait3A_83 = tpu.memref_slice %arg9[%add3A_30, %dma_wait3A_82] : memref<8x128xf32, #tpu.memory_space<hbm>> -> memref<1x128xf32, #tpu.memory_space<hbm>>
        %dma_wait3A_84 = tpu.memref_squeeze %dma_wait3A_83 : memref<1x128xf32, #tpu.memory_space<hbm>> -> memref<128xf32, #tpu.memory_space<hbm>>
        %dma_wait3A_85 = arith.constant 0 : i32
        %dma_wait3A_86 = tpu.memref_slice %arg9[%add3A_30, %dma_wait3A_85] : memref<8x128xf32, #tpu.memory_space<hbm>> -> memref<1x128xf32, #tpu.memory_space<hbm>>
        %dma_wait3A_87 = tpu.memref_squeeze %dma_wait3A_86 : memref<1x128xf32, #tpu.memory_space<hbm>> -> memref<128xf32, #tpu.memory_space<hbm>>
        %dma_wait3A_88 = arith.constant 0 : i32
        %dma_wait3A_89 = tpu.memref_slice %arg25[%run_scoped3A, %dma_wait3A_88] : memref<7x128xf32, #tpu.memory_space<vmem>> -> memref<1x128xf32, #tpu.memory_space<vmem>>
        %dma_wait3A_90 = tpu.memref_squeeze %dma_wait3A_89 : memref<1x128xf32, #tpu.memory_space<vmem>> -> memref<128xf32, #tpu.memory_space<vmem>>
        tpu.wait_dma2 semaphore(%run_scoped3A_68 : memref<!tpu.dma_semaphore, #tpu.memory_space<semaphore_mem>>) src(%dma_wait3A_90 : memref<128xf32, #tpu.memory_space<vmem>>) dst(%dma_wait3A_87 : memref<128xf32, #tpu.memory_space<hbm>>)
        tpu.yield
      }) : () -> ()
      %run_scoped3A_51 = arith.constant 1 : i32
      "tpu.region"() ({
        %run_scoped3A_68 = tpu.sem_alloc : memref<!tpu.dma_semaphore, #tpu.memory_space<semaphore_mem>>
        %dma_start3A = arith.constant 0 : i32
        %dma_start3A_69 = tpu.memref_slice %arg25[%run_scoped3A_51, %dma_start3A] : memref<7x128xf32, #tpu.memory_space<vmem>> -> memref<1x128xf32, #tpu.memory_space<vmem>>
        %dma_start3A_70 = tpu.memref_squeeze %dma_start3A_69 : memref<1x128xf32, #tpu.memory_space<vmem>> -> memref<128xf32, #tpu.memory_space<vmem>>
        %dma_start3A_71 = arith.constant 0 : i32
        %dma_start3A_72 = tpu.memref_slice %arg8[%add3A_30, %dma_start3A_71] : memref<8x128xf32, #tpu.memory_space<hbm>> -> memref<1x128xf32, #tpu.memory_space<hbm>>
        %dma_start3A_73 = tpu.memref_squeeze %dma_start3A_72 : memref<1x128xf32, #tpu.memory_space<hbm>> -> memref<128xf32, #tpu.memory_space<hbm>>
        %dma_start3A_74 = arith.constant 0 : i32
        %dma_start3A_75 = tpu.memref_slice %arg8[%add3A_30, %dma_start3A_74] : memref<8x128xf32, #tpu.memory_space<hbm>> -> memref<1x128xf32, #tpu.memory_space<hbm>>
        %dma_start3A_76 = tpu.memref_squeeze %dma_start3A_75 : memref<1x128xf32, #tpu.memory_space<hbm>> -> memref<128xf32, #tpu.memory_space<hbm>>
        %dma_start3A_77 = arith.constant 0 : i32
        %dma_start3A_78 = tpu.memref_slice %arg25[%run_scoped3A_51, %dma_start3A_77] : memref<7x128xf32, #tpu.memory_space<vmem>> -> memref<1x128xf32, #tpu.memory_space<vmem>>
        %dma_start3A_79 = tpu.memref_squeeze %dma_start3A_78 : memref<1x128xf32, #tpu.memory_space<vmem>> -> memref<128xf32, #tpu.memory_space<vmem>>
        tpu.enqueue_dma source(%dma_start3A_79 : memref<128xf32, #tpu.memory_space<vmem>>) target(%dma_start3A_76 : memref<128xf32, #tpu.memory_space<hbm>>) target_semaphore(%run_scoped3A_68 : memref<!tpu.dma_semaphore, #tpu.memory_space<semaphore_mem>>)
        %dma_wait3A = arith.constant 0 : i32
        %dma_wait3A_80 = tpu.memref_slice %arg25[%run_scoped3A_51, %dma_wait3A] : memref<7x128xf32, #tpu.memory_space<vmem>> -> memref<1x128xf32, #tpu.memory_space<vmem>>
        %dma_wait3A_81 = tpu.memref_squeeze %dma_wait3A_80 : memref<1x128xf32, #tpu.memory_space<vmem>> -> memref<128xf32, #tpu.memory_space<vmem>>
        %dma_wait3A_82 = arith.constant 0 : i32
        %dma_wait3A_83 = tpu.memref_slice %arg8[%add3A_30, %dma_wait3A_82] : memref<8x128xf32, #tpu.memory_space<hbm>> -> memref<1x128xf32, #tpu.memory_space<hbm>>
        %dma_wait3A_84 = tpu.memref_squeeze %dma_wait3A_83 : memref<1x128xf32, #tpu.memory_space<hbm>> -> memref<128xf32, #tpu.memory_space<hbm>>
        %dma_wait3A_85 = arith.constant 0 : i32
        %dma_wait3A_86 = tpu.memref_slice %arg8[%add3A_30, %dma_wait3A_85] : memref<8x128xf32, #tpu.memory_space<hbm>> -> memref<1x128xf32, #tpu.memory_space<hbm>>
        %dma_wait3A_87 = tpu.memref_squeeze %dma_wait3A_86 : memref<1x128xf32, #tpu.memory_space<hbm>> -> memref<128xf32, #tpu.memory_space<hbm>>
        %dma_wait3A_88 = arith.constant 0 : i32
        %dma_wait3A_89 = tpu.memref_slice %arg25[%run_scoped3A_51, %dma_wait3A_88] : memref<7x128xf32, #tpu.memory_space<vmem>> -> memref<1x128xf32, #tpu.memory_space<vmem>>
        %dma_wait3A_90 = tpu.memref_squeeze %dma_wait3A_89 : memref<1x128xf32, #tpu.memory_space<vmem>> -> memref<128xf32, #tpu.memory_space<vmem>>
        tpu.wait_dma2 semaphore(%run_scoped3A_68 : memref<!tpu.dma_semaphore, #tpu.memory_space<semaphore_mem>>) src(%dma_wait3A_90 : memref<128xf32, #tpu.memory_space<vmem>>) dst(%dma_wait3A_87 : memref<128xf32, #tpu.memory_space<hbm>>)
        tpu.yield
      }) : () -> ()
      %run_scoped3A_52 = arith.constant 2 : i32
      "tpu.region"() ({
        %run_scoped3A_68 = tpu.sem_alloc : memref<!tpu.dma_semaphore, #tpu.memory_space<semaphore_mem>>
        %dma_start3A = arith.constant 0 : i32
        %dma_start3A_69 = tpu.memref_slice %arg25[%run_scoped3A_52, %dma_start3A] : memref<7x128xf32, #tpu.memory_space<vmem>> -> memref<1x128xf32, #tpu.memory_space<vmem>>
        %dma_start3A_70 = tpu.memref_squeeze %dma_start3A_69 : memref<1x128xf32, #tpu.memory_space<vmem>> -> memref<128xf32, #tpu.memory_space<vmem>>
        %dma_start3A_71 = arith.constant 0 : i32
        %dma_start3A_72 = tpu.memref_slice %arg10[%add3A_30, %dma_start3A_71] : memref<8x128xf32, #tpu.memory_space<hbm>> -> memref<1x128xf32, #tpu.memory_space<hbm>>
        %dma_start3A_73 = tpu.memref_squeeze %dma_start3A_72 : memref<1x128xf32, #tpu.memory_space<hbm>> -> memref<128xf32, #tpu.memory_space<hbm>>
        %dma_start3A_74 = arith.constant 0 : i32
        %dma_start3A_75 = tpu.memref_slice %arg10[%add3A_30, %dma_start3A_74] : memref<8x128xf32, #tpu.memory_space<hbm>> -> memref<1x128xf32, #tpu.memory_space<hbm>>
        %dma_start3A_76 = tpu.memref_squeeze %dma_start3A_75 : memref<1x128xf32, #tpu.memory_space<hbm>> -> memref<128xf32, #tpu.memory_space<hbm>>
        %dma_start3A_77 = arith.constant 0 : i32
        %dma_start3A_78 = tpu.memref_slice %arg25[%run_scoped3A_52, %dma_start3A_77] : memref<7x128xf32, #tpu.memory_space<vmem>> -> memref<1x128xf32, #tpu.memory_space<vmem>>
        %dma_start3A_79 = tpu.memref_squeeze %dma_start3A_78 : memref<1x128xf32, #tpu.memory_space<vmem>> -> memref<128xf32, #tpu.memory_space<vmem>>
        tpu.enqueue_dma source(%dma_start3A_79 : memref<128xf32, #tpu.memory_space<vmem>>) target(%dma_start3A_76 : memref<128xf32, #tpu.memory_space<hbm>>) target_semaphore(%run_scoped3A_68 : memref<!tpu.dma_semaphore, #tpu.memory_space<semaphore_mem>>)
        %dma_wait3A = arith.constant 0 : i32
        %dma_wait3A_80 = tpu.memref_slice %arg25[%run_scoped3A_52, %dma_wait3A] : memref<7x128xf32, #tpu.memory_space<vmem>> -> memref<1x128xf32, #tpu.memory_space<vmem>>
        %dma_wait3A_81 = tpu.memref_squeeze %dma_wait3A_80 : memref<1x128xf32, #tpu.memory_space<vmem>> -> memref<128xf32, #tpu.memory_space<vmem>>
        %dma_wait3A_82 = arith.constant 0 : i32
        %dma_wait3A_83 = tpu.memref_slice %arg10[%add3A_30, %dma_wait3A_82] : memref<8x128xf32, #tpu.memory_space<hbm>> -> memref<1x128xf32, #tpu.memory_space<hbm>>
        %dma_wait3A_84 = tpu.memref_squeeze %dma_wait3A_83 : memref<1x128xf32, #tpu.memory_space<hbm>> -> memref<128xf32, #tpu.memory_space<hbm>>
        %dma_wait3A_85 = arith.constant 0 : i32
        %dma_wait3A_86 = tpu.memref_slice %arg10[%add3A_30, %dma_wait3A_85] : memref<8x128xf32, #tpu.memory_space<hbm>> -> memref<1x128xf32, #tpu.memory_space<hbm>>
        %dma_wait3A_87 = tpu.memref_squeeze %dma_wait3A_86 : memref<1x128xf32, #tpu.memory_space<hbm>> -> memref<128xf32, #tpu.memory_space<hbm>>
        %dma_wait3A_88 = arith.constant 0 : i32
        %dma_wait3A_89 = tpu.memref_slice %arg25[%run_scoped3A_52, %dma_wait3A_88] : memref<7x128xf32, #tpu.memory_space<vmem>> -> memref<1x128xf32, #tpu.memory_space<vmem>>
        %dma_wait3A_90 = tpu.memref_squeeze %dma_wait3A_89 : memref<1x128xf32, #tpu.memory_space<vmem>> -> memref<128xf32, #tpu.memory_space<vmem>>
        tpu.wait_dma2 semaphore(%run_scoped3A_68 : memref<!tpu.dma_semaphore, #tpu.memory_space<semaphore_mem>>) src(%dma_wait3A_90 : memref<128xf32, #tpu.memory_space<vmem>>) dst(%dma_wait3A_87 : memref<128xf32, #tpu.memory_space<hbm>>)
        tpu.yield
      }) : () -> ()
      %run_scoped3A_53 = arith.constant 3 : i32
      "tpu.region"() ({
        %run_scoped3A_68 = tpu.sem_alloc : memref<!tpu.dma_semaphore, #tpu.memory_space<semaphore_mem>>
        %dma_start3A = arith.constant 0 : i32
        %dma_start3A_69 = tpu.memref_slice %arg25[%run_scoped3A_53, %dma_start3A] : memref<7x128xf32, #tpu.memory_space<vmem>> -> memref<1x128xf32, #tpu.memory_space<vmem>>
        %dma_start3A_70 = tpu.memref_squeeze %dma_start3A_69 : memref<1x128xf32, #tpu.memory_space<vmem>> -> memref<128xf32, #tpu.memory_space<vmem>>
        %dma_start3A_71 = arith.constant 0 : i32
        %dma_start3A_72 = tpu.memref_slice %arg11[%add3A_30, %dma_start3A_71] : memref<8x128xf32, #tpu.memory_space<hbm>> -> memref<1x128xf32, #tpu.memory_space<hbm>>
        %dma_start3A_73 = tpu.memref_squeeze %dma_start3A_72 : memref<1x128xf32, #tpu.memory_space<hbm>> -> memref<128xf32, #tpu.memory_space<hbm>>
        %dma_start3A_74 = arith.constant 0 : i32
        %dma_start3A_75 = tpu.memref_slice %arg11[%add3A_30, %dma_start3A_74] : memref<8x128xf32, #tpu.memory_space<hbm>> -> memref<1x128xf32, #tpu.memory_space<hbm>>
        %dma_start3A_76 = tpu.memref_squeeze %dma_start3A_75 : memref<1x128xf32, #tpu.memory_space<hbm>> -> memref<128xf32, #tpu.memory_space<hbm>>
        %dma_start3A_77 = arith.constant 0 : i32
        %dma_start3A_78 = tpu.memref_slice %arg25[%run_scoped3A_53, %dma_start3A_77] : memref<7x128xf32, #tpu.memory_space<vmem>> -> memref<1x128xf32, #tpu.memory_space<vmem>>
        %dma_start3A_79 = tpu.memref_squeeze %dma_start3A_78 : memref<1x128xf32, #tpu.memory_space<vmem>> -> memref<128xf32, #tpu.memory_space<vmem>>
        tpu.enqueue_dma source(%dma_start3A_79 : memref<128xf32, #tpu.memory_space<vmem>>) target(%dma_start3A_76 : memref<128xf32, #tpu.memory_space<hbm>>) target_semaphore(%run_scoped3A_68 : memref<!tpu.dma_semaphore, #tpu.memory_space<semaphore_mem>>)
        %dma_wait3A = arith.constant 0 : i32
        %dma_wait3A_80 = tpu.memref_slice %arg25[%run_scoped3A_53, %dma_wait3A] : memref<7x128xf32, #tpu.memory_space<vmem>> -> memref<1x128xf32, #tpu.memory_space<vmem>>
        %dma_wait3A_81 = tpu.memref_squeeze %dma_wait3A_80 : memref<1x128xf32, #tpu.memory_space<vmem>> -> memref<128xf32, #tpu.memory_space<vmem>>
        %dma_wait3A_82 = arith.constant 0 : i32
        %dma_wait3A_83 = tpu.memref_slice %arg11[%add3A_30, %dma_wait3A_82] : memref<8x128xf32, #tpu.memory_space<hbm>> -> memref<1x128xf32, #tpu.memory_space<hbm>>
        %dma_wait3A_84 = tpu.memref_squeeze %dma_wait3A_83 : memref<1x128xf32, #tpu.memory_space<hbm>> -> memref<128xf32, #tpu.memory_space<hbm>>
        %dma_wait3A_85 = arith.constant 0 : i32
        %dma_wait3A_86 = tpu.memref_slice %arg11[%add3A_30, %dma_wait3A_85] : memref<8x128xf32, #tpu.memory_space<hbm>> -> memref<1x128xf32, #tpu.memory_space<hbm>>
        %dma_wait3A_87 = tpu.memref_squeeze %dma_wait3A_86 : memref<1x128xf32, #tpu.memory_space<hbm>> -> memref<128xf32, #tpu.memory_space<hbm>>
        %dma_wait3A_88 = arith.constant 0 : i32
        %dma_wait3A_89 = tpu.memref_slice %arg25[%run_scoped3A_53, %dma_wait3A_88] : memref<7x128xf32, #tpu.memory_space<vmem>> -> memref<1x128xf32, #tpu.memory_space<vmem>>
        %dma_wait3A_90 = tpu.memref_squeeze %dma_wait3A_89 : memref<1x128xf32, #tpu.memory_space<vmem>> -> memref<128xf32, #tpu.memory_space<vmem>>
        tpu.wait_dma2 semaphore(%run_scoped3A_68 : memref<!tpu.dma_semaphore, #tpu.memory_space<semaphore_mem>>) src(%dma_wait3A_90 : memref<128xf32, #tpu.memory_space<vmem>>) dst(%dma_wait3A_87 : memref<128xf32, #tpu.memory_space<hbm>>)
        tpu.yield
      }) : () -> ()
      %run_scoped3A_54 = arith.constant 4 : i32
      "tpu.region"() ({
        %run_scoped3A_68 = tpu.sem_alloc : memref<!tpu.dma_semaphore, #tpu.memory_space<semaphore_mem>>
        %dma_start3A = arith.constant 0 : i32
        %dma_start3A_69 = tpu.memref_slice %arg25[%run_scoped3A_54, %dma_start3A] : memref<7x128xf32, #tpu.memory_space<vmem>> -> memref<1x128xf32, #tpu.memory_space<vmem>>
        %dma_start3A_70 = tpu.memref_squeeze %dma_start3A_69 : memref<1x128xf32, #tpu.memory_space<vmem>> -> memref<128xf32, #tpu.memory_space<vmem>>
        %dma_start3A_71 = arith.constant 0 : i32
        %dma_start3A_72 = tpu.memref_slice %arg12[%add3A_30, %dma_start3A_71] : memref<8x128xf32, #tpu.memory_space<hbm>> -> memref<1x128xf32, #tpu.memory_space<hbm>>
        %dma_start3A_73 = tpu.memref_squeeze %dma_start3A_72 : memref<1x128xf32, #tpu.memory_space<hbm>> -> memref<128xf32, #tpu.memory_space<hbm>>
        %dma_start3A_74 = arith.constant 0 : i32
        %dma_start3A_75 = tpu.memref_slice %arg12[%add3A_30, %dma_start3A_74] : memref<8x128xf32, #tpu.memory_space<hbm>> -> memref<1x128xf32, #tpu.memory_space<hbm>>
        %dma_start3A_76 = tpu.memref_squeeze %dma_start3A_75 : memref<1x128xf32, #tpu.memory_space<hbm>> -> memref<128xf32, #tpu.memory_space<hbm>>
        %dma_start3A_77 = arith.constant 0 : i32
        %dma_start3A_78 = tpu.memref_slice %arg25[%run_scoped3A_54, %dma_start3A_77] : memref<7x128xf32, #tpu.memory_space<vmem>> -> memref<1x128xf32, #tpu.memory_space<vmem>>
        %dma_start3A_79 = tpu.memref_squeeze %dma_start3A_78 : memref<1x128xf32, #tpu.memory_space<vmem>> -> memref<128xf32, #tpu.memory_space<vmem>>
        tpu.enqueue_dma source(%dma_start3A_79 : memref<128xf32, #tpu.memory_space<vmem>>) target(%dma_start3A_76 : memref<128xf32, #tpu.memory_space<hbm>>) target_semaphore(%run_scoped3A_68 : memref<!tpu.dma_semaphore, #tpu.memory_space<semaphore_mem>>)
        %dma_wait3A = arith.constant 0 : i32
        %dma_wait3A_80 = tpu.memref_slice %arg25[%run_scoped3A_54, %dma_wait3A] : memref<7x128xf32, #tpu.memory_space<vmem>> -> memref<1x128xf32, #tpu.memory_space<vmem>>
        %dma_wait3A_81 = tpu.memref_squeeze %dma_wait3A_80 : memref<1x128xf32, #tpu.memory_space<vmem>> -> memref<128xf32, #tpu.memory_space<vmem>>
        %dma_wait3A_82 = arith.constant 0 : i32
        %dma_wait3A_83 = tpu.memref_slice %arg12[%add3A_30, %dma_wait3A_82] : memref<8x128xf32, #tpu.memory_space<hbm>> -> memref<1x128xf32, #tpu.memory_space<hbm>>
        %dma_wait3A_84 = tpu.memref_squeeze %dma_wait3A_83 : memref<1x128xf32, #tpu.memory_space<hbm>> -> memref<128xf32, #tpu.memory_space<hbm>>
        %dma_wait3A_85 = arith.constant 0 : i32
        %dma_wait3A_86 = tpu.memref_slice %arg12[%add3A_30, %dma_wait3A_85] : memref<8x128xf32, #tpu.memory_space<hbm>> -> memref<1x128xf32, #tpu.memory_space<hbm>>
        %dma_wait3A_87 = tpu.memref_squeeze %dma_wait3A_86 : memref<1x128xf32, #tpu.memory_space<hbm>> -> memref<128xf32, #tpu.memory_space<hbm>>
        %dma_wait3A_88 = arith.constant 0 : i32
        %dma_wait3A_89 = tpu.memref_slice %arg25[%run_scoped3A_54, %dma_wait3A_88] : memref<7x128xf32, #tpu.memory_space<vmem>> -> memref<1x128xf32, #tpu.memory_space<vmem>>
        %dma_wait3A_90 = tpu.memref_squeeze %dma_wait3A_89 : memref<1x128xf32, #tpu.memory_space<vmem>> -> memref<128xf32, #tpu.memory_space<vmem>>
        tpu.wait_dma2 semaphore(%run_scoped3A_68 : memref<!tpu.dma_semaphore, #tpu.memory_space<semaphore_mem>>) src(%dma_wait3A_90 : memref<128xf32, #tpu.memory_space<vmem>>) dst(%dma_wait3A_87 : memref<128xf32, #tpu.memory_space<hbm>>)
        tpu.yield
      }) : () -> ()
      %run_scoped3A_55 = arith.constant 5 : i32
      "tpu.region"() ({
        %run_scoped3A_68 = tpu.sem_alloc : memref<!tpu.dma_semaphore, #tpu.memory_space<semaphore_mem>>
        %dma_start3A = arith.constant 0 : i32
        %dma_start3A_69 = tpu.memref_slice %arg25[%run_scoped3A_55, %dma_start3A] : memref<7x128xf32, #tpu.memory_space<vmem>> -> memref<1x128xf32, #tpu.memory_space<vmem>>
        %dma_start3A_70 = tpu.memref_squeeze %dma_start3A_69 : memref<1x128xf32, #tpu.memory_space<vmem>> -> memref<128xf32, #tpu.memory_space<vmem>>
        %dma_start3A_71 = arith.constant 0 : i32
        %dma_start3A_72 = tpu.memref_slice %arg13[%add3A_30, %dma_start3A_71] : memref<8x128xf32, #tpu.memory_space<hbm>> -> memref<1x128xf32, #tpu.memory_space<hbm>>
        %dma_start3A_73 = tpu.memref_squeeze %dma_start3A_72 : memref<1x128xf32, #tpu.memory_space<hbm>> -> memref<128xf32, #tpu.memory_space<hbm>>
        %dma_start3A_74 = arith.constant 0 : i32
        %dma_start3A_75 = tpu.memref_slice %arg13[%add3A_30, %dma_start3A_74] : memref<8x128xf32, #tpu.memory_space<hbm>> -> memref<1x128xf32, #tpu.memory_space<hbm>>
        %dma_start3A_76 = tpu.memref_squeeze %dma_start3A_75 : memref<1x128xf32, #tpu.memory_space<hbm>> -> memref<128xf32, #tpu.memory_space<hbm>>
        %dma_start3A_77 = arith.constant 0 : i32
        %dma_start3A_78 = tpu.memref_slice %arg25[%run_scoped3A_55, %dma_start3A_77] : memref<7x128xf32, #tpu.memory_space<vmem>> -> memref<1x128xf32, #tpu.memory_space<vmem>>
        %dma_start3A_79 = tpu.memref_squeeze %dma_start3A_78 : memref<1x128xf32, #tpu.memory_space<vmem>> -> memref<128xf32, #tpu.memory_space<vmem>>
        tpu.enqueue_dma source(%dma_start3A_79 : memref<128xf32, #tpu.memory_space<vmem>>) target(%dma_start3A_76 : memref<128xf32, #tpu.memory_space<hbm>>) target_semaphore(%run_scoped3A_68 : memref<!tpu.dma_semaphore, #tpu.memory_space<semaphore_mem>>)
        %dma_wait3A = arith.constant 0 : i32
        %dma_wait3A_80 = tpu.memref_slice %arg25[%run_scoped3A_55, %dma_wait3A] : memref<7x128xf32, #tpu.memory_space<vmem>> -> memref<1x128xf32, #tpu.memory_space<vmem>>
        %dma_wait3A_81 = tpu.memref_squeeze %dma_wait3A_80 : memref<1x128xf32, #tpu.memory_space<vmem>> -> memref<128xf32, #tpu.memory_space<vmem>>
        %dma_wait3A_82 = arith.constant 0 : i32
        %dma_wait3A_83 = tpu.memref_slice %arg13[%add3A_30, %dma_wait3A_82] : memref<8x128xf32, #tpu.memory_space<hbm>> -> memref<1x128xf32, #tpu.memory_space<hbm>>
        %dma_wait3A_84 = tpu.memref_squeeze %dma_wait3A_83 : memref<1x128xf32, #tpu.memory_space<hbm>> -> memref<128xf32, #tpu.memory_space<hbm>>
        %dma_wait3A_85 = arith.constant 0 : i32
        %dma_wait3A_86 = tpu.memref_slice %arg13[%add3A_30, %dma_wait3A_85] : memref<8x128xf32, #tpu.memory_space<hbm>> -> memref<1x128xf32, #tpu.memory_space<hbm>>
        %dma_wait3A_87 = tpu.memref_squeeze %dma_wait3A_86 : memref<1x128xf32, #tpu.memory_space<hbm>> -> memref<128xf32, #tpu.memory_space<hbm>>
        %dma_wait3A_88 = arith.constant 0 : i32
        %dma_wait3A_89 = tpu.memref_slice %arg25[%run_scoped3A_55, %dma_wait3A_88] : memref<7x128xf32, #tpu.memory_space<vmem>> -> memref<1x128xf32, #tpu.memory_space<vmem>>
        %dma_wait3A_90 = tpu.memref_squeeze %dma_wait3A_89 : memref<1x128xf32, #tpu.memory_space<vmem>> -> memref<128xf32, #tpu.memory_space<vmem>>
        tpu.wait_dma2 semaphore(%run_scoped3A_68 : memref<!tpu.dma_semaphore, #tpu.memory_space<semaphore_mem>>) src(%dma_wait3A_90 : memref<128xf32, #tpu.memory_space<vmem>>) dst(%dma_wait3A_87 : memref<128xf32, #tpu.memory_space<hbm>>)
        tpu.yield
      }) : () -> ()
      %run_scoped3A_56 = arith.constant 6 : i32
      "tpu.region"() ({
        %run_scoped3A_68 = tpu.sem_alloc : memref<!tpu.dma_semaphore, #tpu.memory_space<semaphore_mem>>
        %dma_start3A = arith.constant 0 : i32
        %dma_start3A_69 = tpu.memref_slice %arg25[%run_scoped3A_56, %dma_start3A] : memref<7x128xf32, #tpu.memory_space<vmem>> -> memref<1x128xf32, #tpu.memory_space<vmem>>
        %dma_start3A_70 = tpu.memref_squeeze %dma_start3A_69 : memref<1x128xf32, #tpu.memory_space<vmem>> -> memref<128xf32, #tpu.memory_space<vmem>>
        %dma_start3A_71 = arith.constant 0 : i32
        %dma_start3A_72 = tpu.memref_slice %arg14[%add3A_30, %dma_start3A_71] : memref<8x128xf32, #tpu.memory_space<hbm>> -> memref<1x128xf32, #tpu.memory_space<hbm>>
        %dma_start3A_73 = tpu.memref_squeeze %dma_start3A_72 : memref<1x128xf32, #tpu.memory_space<hbm>> -> memref<128xf32, #tpu.memory_space<hbm>>
        %dma_start3A_74 = arith.constant 0 : i32
        %dma_start3A_75 = tpu.memref_slice %arg14[%add3A_30, %dma_start3A_74] : memref<8x128xf32, #tpu.memory_space<hbm>> -> memref<1x128xf32, #tpu.memory_space<hbm>>
        %dma_start3A_76 = tpu.memref_squeeze %dma_start3A_75 : memref<1x128xf32, #tpu.memory_space<hbm>> -> memref<128xf32, #tpu.memory_space<hbm>>
        %dma_start3A_77 = arith.constant 0 : i32
        %dma_start3A_78 = tpu.memref_slice %arg25[%run_scoped3A_56, %dma_start3A_77] : memref<7x128xf32, #tpu.memory_space<vmem>> -> memref<1x128xf32, #tpu.memory_space<vmem>>
        %dma_start3A_79 = tpu.memref_squeeze %dma_start3A_78 : memref<1x128xf32, #tpu.memory_space<vmem>> -> memref<128xf32, #tpu.memory_space<vmem>>
        tpu.enqueue_dma source(%dma_start3A_79 : memref<128xf32, #tpu.memory_space<vmem>>) target(%dma_start3A_76 : memref<128xf32, #tpu.memory_space<hbm>>) target_semaphore(%run_scoped3A_68 : memref<!tpu.dma_semaphore, #tpu.memory_space<semaphore_mem>>)
        %dma_wait3A = arith.constant 0 : i32
        %dma_wait3A_80 = tpu.memref_slice %arg25[%run_scoped3A_56, %dma_wait3A] : memref<7x128xf32, #tpu.memory_space<vmem>> -> memref<1x128xf32, #tpu.memory_space<vmem>>
        %dma_wait3A_81 = tpu.memref_squeeze %dma_wait3A_80 : memref<1x128xf32, #tpu.memory_space<vmem>> -> memref<128xf32, #tpu.memory_space<vmem>>
        %dma_wait3A_82 = arith.constant 0 : i32
        %dma_wait3A_83 = tpu.memref_slice %arg14[%add3A_30, %dma_wait3A_82] : memref<8x128xf32, #tpu.memory_space<hbm>> -> memref<1x128xf32, #tpu.memory_space<hbm>>
        %dma_wait3A_84 = tpu.memref_squeeze %dma_wait3A_83 : memref<1x128xf32, #tpu.memory_space<hbm>> -> memref<128xf32, #tpu.memory_space<hbm>>
        %dma_wait3A_85 = arith.constant 0 : i32
        %dma_wait3A_86 = tpu.memref_slice %arg14[%add3A_30, %dma_wait3A_85] : memref<8x128xf32, #tpu.memory_space<hbm>> -> memref<1x128xf32, #tpu.memory_space<hbm>>
        %dma_wait3A_87 = tpu.memref_squeeze %dma_wait3A_86 : memref<1x128xf32, #tpu.memory_space<hbm>> -> memref<128xf32, #tpu.memory_space<hbm>>
        %dma_wait3A_88 = arith.constant 0 : i32
        %dma_wait3A_89 = tpu.memref_slice %arg25[%run_scoped3A_56, %dma_wait3A_88] : memref<7x128xf32, #tpu.memory_space<vmem>> -> memref<1x128xf32, #tpu.memory_space<vmem>>
        %dma_wait3A_90 = tpu.memref_squeeze %dma_wait3A_89 : memref<1x128xf32, #tpu.memory_space<vmem>> -> memref<128xf32, #tpu.memory_space<vmem>>
        tpu.wait_dma2 semaphore(%run_scoped3A_68 : memref<!tpu.dma_semaphore, #tpu.memory_space<semaphore_mem>>) src(%dma_wait3A_90 : memref<128xf32, #tpu.memory_space<vmem>>) dst(%dma_wait3A_87 : memref<128xf32, #tpu.memory_space<hbm>>)
        tpu.yield
      }) : () -> ()
      %iota3A = tpu.iota {dimensions = array<i32: 0>} : vector<16xi32>
      %eq3A_57 = arith.constant 0 : i32
      %eq3A_58 = vector.broadcast %eq3A_57 : i32 to vector<16xi32>
      %eq3A_59 = arith.cmpi eq, %iota3A, %eq3A_58 : vector<16xi32>
      %convert_element_type3A_60 = arith.sitofp %scan3A_46#2 : i32 to f32
      %jit3A_61 = arith.constant 0.000000e+00 : f32
      %broadcast_in_dim3A_62 = vector.broadcast %convert_element_type3A_60 : f32 to vector<16xf32>
      %broadcast_in_dim3A_63 = vector.broadcast %jit3A_61 : f32 to vector<16xf32>
      %select_n3A_64 = arith.select %eq3A_59, %broadcast_in_dim3A_62, %broadcast_in_dim3A_63 : vector<16xi1>, vector<16xf32>
      %swap3A = arith.constant 0 : index
      %swap3A_65 = tpu.vector_load %arg23[%swap3A] {strides = array<i32>} : memref<16xf32, #tpu.memory_space<vmem>>, vector<16xf32>,
      %swap3A_66 = vector.shape_cast %swap3A_65 : vector<16xf32> to vector<16xf32>
      %swap3A_67 = vector.shape_cast %select_n3A_64 : vector<16xf32> to vector<16xf32>
      tpu.vector_store %arg23[%swap3A], %swap3A_67 {strides = array<i32>} : memref<16xf32, #tpu.memory_space<vmem>>, vector<16xf32>,
      "tpu.region"() ({
        %run_scoped3A_68 = tpu.sem_alloc : memref<!tpu.dma_semaphore, #tpu.memory_space<semaphore_mem>>
        %dma_start3A = arith.constant 0 : i32
        %dma_start3A_69 = tpu.memref_slice %arg15[%add3A_30, %dma_start3A] : memref<8x16xf32, #tpu.memory_space<hbm>> -> memref<1x16xf32, #tpu.memory_space<hbm>>
        %dma_start3A_70 = tpu.memref_squeeze %dma_start3A_69 : memref<1x16xf32, #tpu.memory_space<hbm>> -> memref<16xf32, #tpu.memory_space<hbm>>
        %dma_start3A_71 = arith.constant 0 : i32
        %dma_start3A_72 = tpu.memref_slice %arg15[%add3A_30, %dma_start3A_71] : memref<8x16xf32, #tpu.memory_space<hbm>> -> memref<1x16xf32, #tpu.memory_space<hbm>>
        %dma_start3A_73 = tpu.memref_squeeze %dma_start3A_72 : memref<1x16xf32, #tpu.memory_space<hbm>> -> memref<16xf32, #tpu.memory_space<hbm>>
        tpu.enqueue_dma source(%arg23 : memref<16xf32, #tpu.memory_space<vmem>>) target(%dma_start3A_73 : memref<16xf32, #tpu.memory_space<hbm>>) target_semaphore(%run_scoped3A_68 : memref<!tpu.dma_semaphore, #tpu.memory_space<semaphore_mem>>)
        %dma_wait3A = arith.constant 0 : i32
        %dma_wait3A_74 = tpu.memref_slice %arg15[%add3A_30, %dma_wait3A] : memref<8x16xf32, #tpu.memory_space<hbm>> -> memref<1x16xf32, #tpu.memory_space<hbm>>
        %dma_wait3A_75 = tpu.memref_squeeze %dma_wait3A_74 : memref<1x16xf32, #tpu.memory_space<hbm>> -> memref<16xf32, #tpu.memory_space<hbm>>
        %dma_wait3A_76 = arith.constant 0 : i32
        %dma_wait3A_77 = tpu.memref_slice %arg15[%add3A_30, %dma_wait3A_76] : memref<8x16xf32, #tpu.memory_space<hbm>> -> memref<1x16xf32, #tpu.memory_space<hbm>>
        %dma_wait3A_78 = tpu.memref_squeeze %dma_wait3A_77 : memref<1x16xf32, #tpu.memory_space<hbm>> -> memref<16xf32, #tpu.memory_space<hbm>>
        tpu.wait_dma2 semaphore(%run_scoped3A_68 : memref<!tpu.dma_semaphore, #tpu.memory_space<semaphore_mem>>) src(%arg23 : memref<16xf32, #tpu.memory_space<vmem>>) dst(%dma_wait3A_78 : memref<16xf32, #tpu.memory_space<hbm>>)
        tpu.yield
      }) : () -> ()
    } else {
    }
    return
  }
}

module attributes {stable_mosaic.version = 14 : i64} {
  func.func @_reduce_body(%arg0: i32, %arg1: memref<1x80x5000xf32, #tpu.memory_space<vmem>>, %arg2: memref<1x1x5000xf32, #tpu.memory_space<vmem>>, %arg3: memref<1x1x5000xi32, #tpu.memory_space<vmem>>) attributes {dimension_semantics = [#tpu.dimension_semantics<arbitrary>], iteration_bounds = array<i64: 8>, scalar_prefetch = 0 : i64, scratch_operands = 0 : i64, tpu.core_type = #tpu.core_type<tc>, window_params = [{transform_indices = @transform_0, window_bounds = array<i64: 1, 80, 5000>}, {transform_indices = @transform_1, window_bounds = array<i64: 1, 1, 5000>}, {transform_indices = @transform_2, window_bounds = array<i64: 1, 1, 5000>}]} {
    %get3A = arith.constant 0 : index
    %get3A_0 = arith.constant 0 : index
    %get3A_1 = arith.constant 0 : index
    %get3A_2 = vector.load %arg1[%get3A, %get3A_0, %get3A_1] : memref<1x80x5000xf32, #tpu.memory_space<vmem>>, vector<1x80x5000xf32>
    %get3A_3 = vector.shape_cast %get3A_2 : vector<1x80x5000xf32> to vector<80x5000xf32>
    %reduce_max3A = arith.constant dense<0xFF800000> : vector<5000xf32>
    %reduce_max3A_4 = vector.multi_reduction <maximumf>, %get3A_3, %reduce_max3A [0] : vector<80x5000xf32> to vector<5000xf32>
    %broadcast_in_dim3A = vector.shape_cast %reduce_max3A_4 : vector<5000xf32> to vector<1x5000xf32>
    %iota3A = tpu.iota {dimensions = array<i32: 0>} : vector<80x5000xi32>
    %eq3A = vector.broadcast %broadcast_in_dim3A : vector<1x5000xf32> to vector<80x5000xf32>
    %eq3A_5 = arith.cmpf oeq, %get3A_3, %eq3A : vector<80x5000xf32>
    %jit3A = arith.constant 80 : i32
    %broadcast_in_dim3A_6 = vector.broadcast %jit3A : i32 to vector<80x5000xi32>
    %select_n3A = arith.select %eq3A_5, %iota3A, %broadcast_in_dim3A_6 : vector<80x5000xi1>, vector<80x5000xi32>
    %reduce_min3A = arith.constant dense<2147483647> : vector<5000xi32>
    %reduce_min3A_7 = vector.multi_reduction <minsi>, %select_n3A, %reduce_min3A [0] : vector<80x5000xi32> to vector<5000xi32>
    %broadcast_in_dim3A_8 = vector.shape_cast %reduce_min3A_7 : vector<5000xi32> to vector<1x5000xi32>
    %swap3A = arith.constant 0 : index
    %swap3A_9 = arith.constant 0 : index
    %swap3A_10 = arith.constant 0 : index
    %swap3A_11 = vector.load %arg2[%swap3A, %swap3A_9, %swap3A_10] : memref<1x1x5000xf32, #tpu.memory_space<vmem>>, vector<1x1x5000xf32>
    %swap3A_12 = vector.shape_cast %swap3A_11 : vector<1x1x5000xf32> to vector<1x5000xf32>
    %swap3A_13 = vector.shape_cast %broadcast_in_dim3A : vector<1x5000xf32> to vector<1x1x5000xf32>
    tpu.vector_store %arg2[%swap3A, %swap3A_9, %swap3A_10], %swap3A_13 {strides = array<i32>} : memref<1x1x5000xf32, #tpu.memory_space<vmem>>, vector<1x1x5000xf32>,
    %swap3A_14 = arith.constant 0 : index
    %swap3A_15 = arith.constant 0 : index
    %swap3A_16 = arith.constant 0 : index
    %swap3A_17 = vector.load %arg3[%swap3A_14, %swap3A_15, %swap3A_16] : memref<1x1x5000xi32, #tpu.memory_space<vmem>>, vector<1x1x5000xi32>
    %swap3A_18 = vector.shape_cast %swap3A_17 : vector<1x1x5000xi32> to vector<1x5000xi32>
    %swap3A_19 = vector.shape_cast %broadcast_in_dim3A_8 : vector<1x5000xi32> to vector<1x1x5000xi32>
    tpu.vector_store %arg3[%swap3A_14, %swap3A_15, %swap3A_16], %swap3A_19 {strides = array<i32>} : memref<1x1x5000xi32, #tpu.memory_space<vmem>>, vector<1x1x5000xi32>,
    return
  }
  func.func @transform_0(%arg0: i32) -> (i32, i32, i32) {
    %c0_i32 = arith.constant 0 : i32
    %c0_i32_0 = arith.constant 0 : i32
    %c0_i32_1 = arith.constant 0 : i32
    return %arg0, %c0_i32, %c0_i32_0 : i32, i32, i32
  }
  func.func @transform_1(%arg0: i32) -> (i32, i32, i32) {
    %c0_i32 = arith.constant 0 : i32
    %c0_i32_0 = arith.constant 0 : i32
    %c0_i32_1 = arith.constant 0 : i32
    return %arg0, %c0_i32, %c0_i32_0 : i32, i32, i32
  }
  func.func @transform_2(%arg0: i32) -> (i32, i32, i32) {
    %c0_i32 = arith.constant 0 : i32
    %c0_i32_0 = arith.constant 0 : i32
    %c0_i32_1 = arith.constant 0 : i32
    return %arg0, %c0_i32, %c0_i32_0 : i32, i32, i32
  }
}

</mosaic_0001>

<sc_bundles>
// kernel: kernel.4.cloned.1.call-start
scs
__scs_entry_jumppad:
0x0: {  	(pc) =	sbr.rel $0x88, $3  }
0x1: {  	(tag) =	ssettag $0x0;
	lr =	simm.s32 $0x1  }
0x2: {  	[smem:$0x3F9F] =	sst lr;
	_ =	strace $0xD0000000  }
0x3: {  	_ = 	snop  }
0x4: {  	_ = 	snop  }
0x5: {  	_ = 	snop  }
0x6: {  	_ = 	snop  }
0x7: {  	_ = 	snop  }
__scs_overlays_trampoline_lowered:
0x8: {  	[smem:$0x3FAE] =	sst s0  }
0x9: {  	[smem:$0x3FAF] =	sst s1  }
0xa: {  	[smem:$0x3FB0] =	sst s2  }
0xb: {  	[smem:$0x3FB1] =	sst s3  }
0xc: {  	[smem:$0x3FB2] =	sst s4  }
0xd: {  	[smem:$0x3FB3] =	sst s5  }
0xe: {  	[smem:$0x3FB4] =	sst s6  }
0xf: {  	[smem:$0x3FB5] =	sst s7  }
0x10: {  	[smem:$0x3FB6] =	sst s8  }
0x11: {  	[smem:$0x3FB7] =	sst s9;
	s0 =	simm.s32 @!p0 $0x0  }
0x12: {  	s1 =	sld [smem:$0x3F9D];
	s0 =	simm.s32 @p0 $0x1  }
0x13: {  	[smem:$0x3FB8] =	sst s0;
	s0 =	simm.s32 @!p1 $0x0  }
0x14: {  	s2 =	sld [smem:$0x3F9C];
	s0 =	simm.s32 @p1 $0x1  }
0x15: {  	[smem:$0x3FB9] =	sst s0;
	s0 =	simm.s32 @!p2 $0x0  }
0x16: {  	s3 =	sld [smem:$0x3FDB];
	s0 =	simm.s32 @p2 $0x1  }
0x17: {  	s4 =	simm.s32 $0x1BF5;
	[smem:$0x3FBB] =	sst s0  }
0x18: {  	s0 =	sld [smem:$0x3F9E];
	_ =	swait.ge [sflag:s4], $0x0  }
0x19: {  	s7 =	sld [smem:$0x3F9F]  }
0x1a: {  	s8 =	sadd.s32 $0xFFFFE003, lr  }
0x1b: {  	s9 =	sadd.s32 $0xFFFFFEF7, lr;
	s5 =	simm.s32 $0xFFFFFFFF;
	p2 =	slt.u32 s8, $0xFFFFF086  }
0x1c: {  	p1 =	slt.u32 s9, $0xF7A;
	s5 =	simm.s32 @!p2 $0x0  }
0x1d: {  	s5 =	simm.s32 @p1 $0x1;
	p0 =	seq.s32 s7, s2  }
0x1e: {  	s7 =	smul.u32 @!p0 $0xF7A, s2;
	p2 =	seq.s32 @!p0 s5, $0x0  }
0x1f: {  	s9 =	smul.u32 $0xF7A, s1;
	s8 =	simm.s32 @!p0 $0x1BF5;
	p2 =	por !p2, p0  }
0x20: {  	[sflag:s8] =	ssyncset.s32 @!p0 $0xFFFFF086;
	s6 =	sadd.s32 @!p0 s3, s7;
	s7 =	simm.s32 @!p0 $0x108  }
0x21: {  	s3 =	sadd.s32 s3, s9;
	s6 =	sadd.s32 @!p0 $0x88, s6;
	s7 =	simm.s32 @p2 $0x1082  }
0x22: {  	[simem:s7], [sflag:s8] =	dma.local @!p0 [hbm:s6], $0xF7A  }
0x23: {  	s9 =	sor.u32 $0xD0000000, s2;
	s6 =	simm.s32 $0x108;
	_ =	swait.ge @!p0 [sflag:s8], $0x0  }
0x24: {  	s3 =	sadd.s32 $0x88, s3;
	s6 =	simm.s32 @!p1 $0x1082;
	[sflag:s4] =	ssyncset.s32 $0xFFFFF086  }
0x25: {  	[simem:s6], [sflag:s4] =	dma.local [hbm:s3], $0xF7A  }
0x26: {  	[smem:$0x3F9F] =	sst s1;
	(tag) =	ssettag s2;
	_ =	strace s9  }
0x27: {  	s1 =	sld [smem:$0x3FAF]  }
0x28: {  	s2 =	sld [smem:$0x3FB0]  }
0x29: {  	s4 =	sld [smem:$0x3FB2]  }
0x2a: {  	p0 =	seq.s32 s5, $0x0;
	s5 =	sld [smem:$0x3FB3]  }
0x2b: {  	s6 =	sld [smem:$0x3FB4]  }
0x2c: {  	s7 =	sld [smem:$0x3FB5]  }
0x2d: {  	s3 =	simm.s32 $0x108;
	s8 =	sld [smem:$0x3FB6]  }
0x2e: {  	s3 =	simm.s32 @!p0 $0x1082;
	s9 =	sld [smem:$0x3FB7]  }
0x2f: {  	lr =	sadd.s32 s0, s3;
	s0 =	sld [smem:$0x3FAE]  }
0x30: {  	s3 =	sld [smem:$0x3FB1]  }
0x31: {  	[smem:$0x3FBA] =	sst s10  }
0x32: {  	s10 =	sld [smem:$0x3FB8];
	_ =	sdelay $0x3  }
0x33: {  	p0 =	seq.s32 s10, $0x1;
	s10 =	sld [smem:$0x3FBA];
	_ =	sdelay $0x3  }
0x34: {  	[smem:$0x3FBA] =	sst s10  }
0x35: {  	s10 =	sld [smem:$0x3FB9];
	_ =	sdelay $0x3  }
0x36: {  	p1 =	seq.s32 s10, $0x1;
	s10 =	sld [smem:$0x3FBA];
	_ =	sdelay $0x3  }
0x37: {  	[smem:$0x3FBA] =	sst s10  }
0x38: {  	s10 =	sld [smem:$0x3FBB]  }
0x39: {  	_ = 	snop;
	(pc) =	sbr.ind lr, $3  }
0x3a: {  	_ = 	snop  }
0x3b: {  	_ = 	snop  }
0x3c: {  	p2 =	seq.s32 s10, $0x1;
	s10 =	sld [smem:$0x3FBA]  }
0x3d: {  	_ =	shalt  }
0x3e: {  	_ =	shalt  }
0x3f: {  	_ =	shalt  }
0x40: {  	_ =	shalt  }
0x41: {  	_ =	shalt  }
0x42: {  	_ =	shalt  }
0x43: {  	_ =	shalt  }
0x44: {  	_ =	shalt  }
0x45: {  	_ =	shalt  }
0x46: {  	_ =	shalt  }
0x47: {  	_ =	shalt  }
0x48: {  	_ =	shalt  }
0x49: {  	_ =	shalt  }
0x4a: {  	_ =	shalt  }
0x4b: {  	_ =	shalt  }
0x4c: {  	_ =	shalt  }
0x4d: {  	_ =	shalt  }
0x4e: {  	_ =	shalt  }
0x4f: {  	_ =	shalt  }
0x50: {  	_ =	shalt  }
0x51: {  	_ =	shalt  }
0x52: {  	_ =	shalt  }
0x53: {  	_ =	shalt  }
0x54: {  	_ =	shalt  }
0x55: {  	_ =	shalt  }
0x56: {  	_ =	shalt  }
0x57: {  	_ =	shalt  }
0x58: {  	_ =	shalt  }
0x59: {  	_ =	shalt  }
0x5a: {  	_ =	shalt  }
0x5b: {  	_ =	shalt  }
0x5c: {  	_ =	shalt  }
0x5d: {  	_ =	shalt  }
0x5e: {  	_ =	shalt  }
0x5f: {  	_ =	shalt  }
0x60: {  	_ =	shalt  }
0x61: {  	_ =	shalt  }
0x62: {  	_ =	shalt  }
0x63: {  	_ =	shalt  }
0x64: {  	_ =	shalt  }
0x65: {  	_ =	shalt  }
0x66: {  	_ =	shalt  }
0x67: {  	_ =	shalt  }
0x68: {  	_ =	shalt  }
0x69: {  	_ =	shalt  }
0x6a: {  	_ =	shalt  }
0x6b: {  	_ =	shalt  }
0x6c: {  	_ =	shalt  }
0x6d: {  	_ =	shalt  }
0x6e: {  	_ =	shalt  }
0x6f: {  	_ =	shalt  }
0x70: {  	_ =	shalt  }
0x71: {  	_ =	shalt  }
0x72: {  	_ =	shalt  }
0x73: {  	_ =	shalt  }
0x74: {  	_ =	shalt  }
0x75: {  	_ =	shalt  }
0x76: {  	_ =	shalt  }
0x77: {  	_ =	shalt  }
0x78: {  	_ =	shalt  }
0x79: {  	_ =	shalt  }
0x7a: {  	_ =	shalt  }
0x7b: {  	_ =	shalt  }
0x7c: {  	_ =	shalt  }
0x7d: {  	_ =	shalt  }
0x7e: {  	_ =	shalt  }
0x7f: {  	_ =	shalt  }
0x80: {  	_ =	shalt  }
0x81: {  	_ =	shalt  }
0x82: {  	_ =	shalt  }
0x83: {  	_ =	shalt  }
0x84: {  	_ =	shalt  }
0x85: {  	_ =	shalt  }
0x86: {  	_ =	shalt  }
0x87: {  	_ =	shalt  }
.Lfunc_end0:
.L_simem_size_0:
called_computation_lowered:
.L_overlay_start_0:
0x88: {  	s2 =	sld [smem:$0x3FD9]  }
0x89: {  	s3 =	sld [smem:$0x3FFE];
	_ =	sdelay $0x1  }
0x8a: {  	s1 =	srdreg.scid  }
0x8b: {  	s0 =	sand.u32 $0x1, s1  }
0x8c: {  	s14 =	sshll.u32 s0, $0xA;
	s2 =	sadd.s32 s3, s2  }
0x8d: {  	s2 =	sadd.s32 s2, s14  }
0x8e: {  	[smem:$0x3FC6] =	sst s2  }
0x8f: {  	_ = 	snop  }
0x90: {  	s2 =	sld [smem:$0x3FD0];
	_ =	sdelay $0x2  }
0x91: {  	s15 =	simm.s32 $0xA;
	s4 =	simm.s32 $0x10  }
0x92: {  	[smem:s4], [sflag:s15] =	dma.local [hbm:s2], $0x1  }
0x93: {  	_ =	swait.eq [sflag:s15], $0x1  }
0x94: {  	s16 =	sld [smem:$0x10]  }
0x95: {  	s17 =	sld [smem:$0x11];
	[sflag:s15] =	ssyncset.done $0x0  }
0x96: {  	s5 =	sld [smem:$0x12];
	[sflag:s15] =	ssyncadd.s32 $0xFFFFFFFF  }
0x97: {  	s18 =	sld [smem:$0x13];
	(tm) =	ssettm $0x1  }
0x98: {  	s6 =	sld [smem:$0x3FFB];
	_ =	sdelay $0x3  }
0x99: {  	_ =	strace s6  }
0x9a: {  	s6 =	sld [smem:$0x3FFC];
	_ =	sdelay $0x3  }
0x9b: {  	_ =	strace s6  }
0x9c: {  	s6 =	sld [smem:$0x3FFD];
	_ =	sdelay $0x3  }
0x9d: {  	_ =	strace s6  }
0x9e: {  	_ =	strace $0x8FFFFFFF  }
0x9f: {  	s19 =	sld [smem:$0x3FDB];
	_ =	sdelay $0x1  }
0xa0: {  	s7 =	simm.s32 $_scs_section_size  }
0xa1: {  	s8 =	simm.s32 $_size__tile_overlayer_lowered;
	s9 =	simm.s32 $_tile_overlayer_lowered  }
0xa2: {  	s22 =	simm.s32 $0x1BFF;
	s21 =	sshll.u32 s9, $0x1;
	s6 =	sadd.s32 s7, s19  }
0xa3: {  	s10 =	simm.s32 $0x0;
	s20 =	sshll.u32 s8, $0x1;
	s8 =	sadd.s32 s21, s6  }
0xa4: {  	[timem:s10], [sflag:s22] =	dma.local [hbm:s8], s20  }
0xa5: {  	_ =	swait.ge [sflag:s22], s20  }
0xa6: {  	s7 =	ssub.s32 $0x0, s20;
	[sflag:s22] =	ssyncset.done $0x0  }
0xa7: {  	[sflag:s22] =	ssyncadd.s32 s7;
	_ =	sdelay $0x1  }
0xa8: {  	s23 =	simm.s32 $0x1B8B  }
0xa9: {  	_ =	swait.ge [sflag:s23], $0x1  }
0xaa: {  	[sflag:s23] =	ssyncset.done $0x0  }
0xab: {  	s25 =	simm.s32 $0x1B8E;
	s24 =	sld [smem:$0x3FFE];
	[sflag:s23] =	ssyncadd.s32 $0xFFFFFFFF  }
0xac: {  	s26 =	simm.s32 $execute0_lowered;
	[smem:$0x3FD2] =	sst s25  }
0xad: {  	s8 =	sshll.u32 s26, $0x1;
	_ =	strace $0x80000046;
	[dreg:$0x1] =	wrdreg $0xFFFFFFFF  }
0xae: {  	s28 =	simm.s32 $_size_execute0_lowered;
	s6 =	sadd.s32 s6, s8;
	[dreg:$0x0] =	wrdreg $0x0  }
0xaf: {  	s8 =	sshll.u32 s28, $0x1;
	[dreg:$0x2] =	wrdreg s6  }
0xb0: {  	[dreg:$0x3] =	wrdreg s8  }
0xb1: {  	[dreg:$0x4] =	wrdreg $0xC0  }
0xb2: {  	_ =	task [dreg:s10], $0x5FFFF  }
0xb3: {  	[dreg:$0x1] =	wrdreg $0xFFFFFFFF  }
0xb4: {  	[dreg:$0x0] =	wrdreg $0x60  }
0xb5: {  	[dreg:$0x2] =	wrdreg s24  }
0xb6: {  	[dreg:$0x3] =	wrdreg s17  }
0xb7: {  	[dreg:$0x4] =	wrdreg s16  }
0xb8: {  	[dreg:$0x5] =	wrdreg s18  }
0xb9: {  	[dreg:$0x6] =	wrdreg s5  }
0xba: {  	[dreg:$0x7] =	wrdreg $0x2C800  }
0xbb: {  	[dreg:$0x8] =	wrdreg $0x9  }
0xbc: {  	_ =	task.clear_ibuf [dreg:s10], $0x9FFFF;
	_ =	strace $0x90000046  }
0xbd: {  	s29 =	simm.s32 $0x9;
	_ =	strace $0x80000048  }
0xbe: {  	_ =	swait.ge [sflag:s29], $0x1  }
0xbf: {  	[sflag:s29] =	ssyncadd.s32 $0xFFFFFFFF  }
0xc0: {  	_ =	strace $0x90000048  }
0xc1: {  	_ =	sfence  }
0xc2: {  	s30 =	sld [smem:$0x0];
	_ =	sdelay $0x2  }
0xc3: {  	s31 =	sshll.u32 s1, $0xD;
	s1 =	sshrl.u32 s1, $0x2  }
0xc4: {  	s3 =	sand.u32 $0x4000, s31;
	s1 =	sadd.s32 s1, s30  }
0xc5: {  	s0 =	sor.u32 s3, s0;
	s1 =	sshll.u32 s1, $0x11  }
0xc6: {  	s0 =	sor.u32 s1, s0  }
0xc7: {  	s0 =	sadd.s32 $0x8F2B, s0  }
0xc8: {  	[sflag:s0] =	ssyncadd.remote.s32 $0x1  }
0xc9: {  	_ =	sfence.sel $0xFFFF  }
0xca: {  	[dreg:$0x0] =	wrdreg $0xFFFFFFFF;
	(pc) =	sbr.abs _section_cstart, $3  }
0xcb: {  	[dreg:$0x1] =	wrdreg $0xFFFFFFFF  }
0xcc: {  	_ =	task.clear_ibuf [dreg:s10], $0x2FFFF;
	_ =	strace $0x9FFFFFFF  }
0xcd: {  	(tm) =	ssettm $0x7FFFFFFF  }
tec
execute0_lowered:
.L_overlay_start_1:
0x0: {  	(tag) =	ssettag $0x1  }
0x1: {  	s3 =	rddreg [dreg:$0x0]  }
0x2: {  	s4 =	rddreg [dreg:$0x1]  }
0x3: {  	s14 =	rddreg [dreg:$0x2]  }
0x4: {  	s1 =	rddreg [dreg:$0x3]  }
0x5: {  	s2 =	rddreg [dreg:$0x4]  }
0x6: {  	s9 =	rddreg [dreg:$0x5];
	s0 =	srdreg.scid  }
0x7: {  	s11 =	stileid.u32;
	s12 =	simm.s32 $0x0;
	s21 =	simm.s32 $0x80  }
0x8: {  	s22 =	simm.s32 $0x400;
	s30 =	simm.s32 $0x2600;
	s31 =	simm.s32 $0x2680  }
0x9: {  	v0 =	vimm.s32 $0xEFCDAB89;
	v1 =	vimm.s32 $0x67452301;
	s5 =	sand.u32 $0x1, s0;
	s8 =	sshrl.u32 s11, $0x2;
	s0 =	sand.u32 $0x3, s11  }
0xa: {  	v2 =	vimm.s32 $0xDCFE98BA;
	v3 =	vimm.s32 $0x54761032;
	[smem:$0x7FF] =	sst s12;
	s11 =	sshll.u32 s11, $0x7;
	s6 =	sshll.u32 s5, $0x9  }
0xb: {  	v4 =	vimm.s32 $0xBA98FEDC;
	s7 =	sshll.u32 s8, $0x7;
	s10 =	smul.u32 $0x2800, s0;
	_ =	strace $0x80000047  }
0xc: {  	v5 =	vimm.s32 $0x32107654;
	v6 =	vimm.s32 $0xFEDCBA98;
	s5 =	ssub.s32 $0x2, s5;
	s28 =	smul.u32 $0x500, s0;
	s29 =	sshll.u32 s8, $0x9  }
0xd: {  	v7 =	vimm.s32 $0x76543210;
	vm0 =	vmmov $0x1;
	vm1 =	vcmask $0xB08;
	s11 =	sadd.s32 s11, s9;
	p0 =	sne.s32 s0, $0x0;
	s6 =	sor.u32 s6, s7  }
0xe: {  	vm2 =	vcmask $0xB20;
	vm3 =	vcmask $0xF20;
	vm4 =	vcmask $0x1320;
	s24 =	sshrl.u32 s5, $0x1;
	s12 =	sadd.s32 s29, s9;
	s7 =	sor.u32 s10, s6  }
0xf: {  	vm5 =	vcmask $0x1F1C;
	v0 =	vunpack.c.l.s4.s8 v0;
	v1 =	vunpack.c.l.s4.s8 v1;
	s16 =	sshrl.u32 s6, $0x3;
	s20 =	ssub.s32 s5, s24;
	s10 =	sadd.s32 $0x800, s11  }
0x10: {  	v2 =	vunpack.c.l.s4.s8 v2;
	v3 =	vunpack.c.l.s4.s8 v3;
	v4 =	vunpack.c.l.s4.s8 v4;
	s11 =	sadd.s32 $0x800, s12;
	s7 =	sshrl.u32 s7, $0x3;
	s12 =	sadd.s32 s4, s16  }
0x11: {  	v5 =	vunpack.c.l.s4.s8 v5;
	v6 =	vunpack.c.l.s4.s8 v6;
	v0 =	vunpack.c.0.s8.s32 v0;
	s14 =	sadd.s32 s14, s16;
	s15 =	sadd.s32 s1, s16;
	s20 =	smax.u32 s20, $0x1  }
0x12: {  	v1 =	vunpack.c.0.s8.s32 v1;
	v2 =	vunpack.c.0.s8.s32 v2;
	v3 =	vunpack.c.0.s8.s32 v3;
	s1 =	simm.s32 $0x0;
	s23 =	sadd.s32 s7, s3;
	s3 =	sadd.s32 s16, s3  }
.Ltmp0:
0x13: {  	v7 =	vunpack.c.l.s4.s8 v7;
	v4 =	vunpack.c.0.s8.s32 v4;
	v5 =	vunpack.c.0.s8.s32 v5;
	s16 =	sadd.s32 s2, s16;
	s25 =	sadd.s32 $0x6000, s23;
	(pc) =	sbr.rel .LBB2_1-.Ltmp0, $4  }
0x14: {  	v1 =	vcombine.low v1, v0;
	v2 =	vcombine.low v3, v2;
	v3 =	vunpack.c.0.s8.s32 v6;
	s26 =	sadd.s32 $0x7400, s23;
	s6 =	sadd.s32 $0x4C00, s23;
	s7 =	sadd.s32 $0x2400, s23  }
0x15: {  	vm6 =	vcmask @!p0 $0x300;
	v4 =	vcombine.low v5, v4;
	v5 =	vunpack.c.0.s8.s32 v7;
	s8 =	sadd.s32 $0x3800, s23;
	s9 =	sadd.s32 $0x1000, s23;
	s13 =	sadd.s32 $0x8C00, s3  }
0x16: {  	v0 =	vlaneseq.u32;
	s17 =	sadd.s32 $0x8800, s3;
	s18 =	sadd.s32 $0x8E00, s3;
	v1 =	vand.u32 $0xF, v1;
	v6 =	vand.u32 $0xF, v3;
	[dreg:$0x7] =	wrdreg s25  }
0x17: {  	s19 =	sadd.s32 $0x8A00, s3;
	s23 =	simm.s32 $0x1;
	v2 =	vand.u32 $0xF, v2;
	v3 =	vand.u32 $0xF, v4;
	[dreg:$0x8] =	wrdreg s26;
	v4 =	vcombine.low v6, v5  }
.LBB2_15:
0x18: {  	s2 =	simm.s32 @!p0 $0x0;
	s3 =	simm.s32 @!p0 $0x2880  }
0x19: {  	[hbm4b:s12+s2] =	stream.linear.scatter @!p0 [tilespmem:s3], [sflag:$0x1], $0x80, $0x38;
	[tilespmem:$0x2CA0] =	vst v63  }
0x1a: {  	s3 =	simm.s32 @!p0 $0x1  }
0x1b: {  	_ =	swait.ge @!p0 [sflag:s3], $0x80  }
0x1c: {  	[sflag:s3] =	ssyncset.done @!p0 $0x0  }
0x1d: {  	s4 =	simm.s32 @!p0 $0x2900;
	[sflag:s3] =	ssyncadd.s32 @!p0 $0xFFFFFF80  }
0x1e: {  	[hbm4b:s13+s2] =	stream.linear.scatter @!p0 [tilespmem:s4], [sflag:$0x1], $0x80, $0x38;
	[tilespmem:$0x2CA0] =	vst v63  }
0x1f: {  	_ =	swait.ge @!p0 [sflag:s3], $0x80  }
0x20: {  	[sflag:s3] =	ssyncset.done @!p0 $0x0  }
0x21: {  	s4 =	simm.s32 @!p0 $0x2980;
	[sflag:s3] =	ssyncadd.s32 @!p0 $0xFFFFFF80  }
0x22: {  	[hbm4b:s14+s2] =	stream.linear.scatter @!p0 [tilespmem:s4], [sflag:$0x1], $0x80, $0x38;
	[tilespmem:$0x2CA0] =	vst v63  }
0x23: {  	_ =	swait.ge @!p0 [sflag:s3], $0x80  }
0x24: {  	[sflag:s3] =	ssyncset.done @!p0 $0x0  }
0x25: {  	s4 =	simm.s32 @!p0 $0x2A00;
	[sflag:s3] =	ssyncadd.s32 @!p0 $0xFFFFFF80  }
0x26: {  	[hbm4b:s15+s2] =	stream.linear.scatter @!p0 [tilespmem:s4], [sflag:$0x1], $0x80, $0x38;
	[tilespmem:$0x2CA0] =	vst v63  }
0x27: {  	_ =	swait.ge @!p0 [sflag:s3], $0x80  }
0x28: {  	[sflag:s3] =	ssyncset.done @!p0 $0x0  }
0x29: {  	s4 =	simm.s32 @!p0 $0x2A80;
	[sflag:s3] =	ssyncadd.s32 @!p0 $0xFFFFFF80  }
0x2a: {  	[hbm4b:s16+s2] =	stream.linear.scatter @!p0 [tilespmem:s4], [sflag:$0x1], $0x80, $0x38;
	[tilespmem:$0x2CA0] =	vst v63  }
0x2b: {  	_ =	swait.ge @!p0 [sflag:s3], $0x80  }
0x2c: {  	[sflag:s3] =	ssyncset.done @!p0 $0x0  }
0x2d: {  	s4 =	simm.s32 @!p0 $0x2B00;
	[sflag:s3] =	ssyncadd.s32 @!p0 $0xFFFFFF80  }
0x2e: {  	[hbm4b:s17+s2] =	stream.linear.scatter @!p0 [tilespmem:s4], [sflag:$0x1], $0x80, $0x38;
	[tilespmem:$0x2CA0] =	vst v63  }
0x2f: {  	_ =	swait.ge @!p0 [sflag:s3], $0x80  }
0x30: {  	[sflag:s3] =	ssyncset.done @!p0 $0x0  }
0x31: {  	s0 =	scvt.s32.f32 @!p0 s0;
	s4 =	simm.s32 @!p0 $0x2B80;
	[sflag:s3] =	ssyncadd.s32 @!p0 $0xFFFFFF80  }
0x32: {  	[hbm4b:s18+s2] =	stream.linear.scatter @!p0 [tilespmem:s4], [sflag:$0x1], $0x80, $0x38;
	[tilespmem:$0x2CA0] =	vst v63  }
0x33: {  	_ =	swait.ge @!p0 [sflag:s3], $0x80  }
0x34: {  	s1 =	sadd.s32 $0x1, s1;
	v5 =	vmov @!p0 s0;
	[sflag:s3] =	ssyncset.done @!p0 $0x0  }
0x35: {  	p1 =	sne.s32 s1, s20;
	v5 =	vnsel @!p0 vm6, $0x0, v5;
	[sflag:s3] =	ssyncadd.s32 @!p0 $0xFFFFFF80  }
.Ltmp1:
0x36: {  	s0 =	simm.s32 @!p0 $0x2600;
	[tilespmem:$0x2600] =	vst @!p0 v5;
	(pc) =	sbr.rel @!p1 .LBB2_16-.Ltmp1, $4  }
0x37: {  	[hbm4b:s19+s2] =	stream.linear.scatter @!p0 [tilespmem:s0], [sflag:$0x1], $0x80, $0x38;
	[tilespmem:$0x2CA0] =	vst v63  }
0x38: {  	_ =	swait.ge @!p0 [sflag:s3], $0x80  }
0x39: {  	[sflag:s3] =	ssyncset.done @!p0 $0x0  }
0x3a: {  	[sflag:s3] =	ssyncadd.s32 @!p0 $0xFFFFFF80  }
.LBB2_1:
0x3b: {  	s0 =	simm.s32 $0x0;
	s2 =	rddreg [dreg:$0x7]  }
0x3c: {  	[tilespmem:s0], [sflag:$0x1] =	stream.strided.gather [hbm4b:s2+s21], $0x500, s22, s21, $0x38;
	[tilespmem:$0x2CA0] =	vst v63  }
0x3d: {  	_ =	swait.ge [sflag:s23], $0x500  }
0x3e: {  	[sflag:s23] =	ssyncset.done $0x0  }
0x3f: {  	s4 =	simm.s32 $0x2080;
	s3 =	rddreg [dreg:$0x8];
	[sflag:s23] =	ssyncadd.s32 $0xFFFFFB00  }
0x40: {  	[tilespmem:s4], [sflag:$0x1] =	stream.strided.gather [hbm4b:s3+s21], $0x500, s22, s21, $0x38;
	[tilespmem:$0x2CA0] =	vst v63  }
0x41: {  	_ =	swait.ge [sflag:s23], $0x500  }
0x42: {  	[sflag:s23] =	ssyncset.done $0x0  }
0x43: {  	s5 =	simm.s32 $0x500;
	[sflag:s23] =	ssyncadd.s32 $0xFFFFFB00  }
0x44: {  	[tilespmem:s5], [sflag:$0x1] =	stream.strided.gather [hbm4b:s6+s21], $0x500, s22, s21, $0x38;
	[tilespmem:$0x2CA0] =	vst v63  }
0x45: {  	_ =	swait.ge [sflag:s23], $0x500  }
0x46: {  	[sflag:s23] =	ssyncset.done $0x0  }
0x47: {  	s24 =	simm.s32 $0xA80;
	[sflag:s23] =	ssyncadd.s32 $0xFFFFFB00  }
0x48: {  	[tilespmem:s24], [sflag:$0x1] =	stream.strided.gather [hbm4b:s7+s21], $0x500, s22, s21, $0x38;
	[tilespmem:$0x2CA0] =	vst v63  }
0x49: {  	_ =	swait.ge [sflag:s23], $0x500  }
0x4a: {  	[sflag:s23] =	ssyncset.done $0x0  }
0x4b: {  	s25 =	simm.s32 $0x1000;
	[sflag:s23] =	ssyncadd.s32 $0xFFFFFB00  }
0x4c: {  	[tilespmem:s25], [sflag:$0x1] =	stream.strided.gather [hbm4b:s8+s21], $0x500, s22, s21, $0x38;
	[tilespmem:$0x2CA0] =	vst v63  }
0x4d: {  	_ =	swait.ge [sflag:s23], $0x500  }
0x4e: {  	[sflag:s23] =	ssyncset.done $0x0  }
0x4f: {  	s26 =	simm.s32 $0x1580;
	[sflag:s23] =	ssyncadd.s32 $0xFFFFFB00  }
0x50: {  	[tilespmem:s26], [sflag:$0x1] =	stream.strided.gather [hbm4b:s9+s21], $0x500, s22, s21, $0x38;
	[tilespmem:$0x2CA0] =	vst v63  }
0x51: {  	_ =	swait.ge [sflag:s23], $0x500  }
0x52: {  	[sflag:s23] =	ssyncset.done $0x0  }
0x53: {  	s29 =	simm.s32 $0x0;
	[sflag:s23] =	ssyncadd.s32 $0xFFFFFB00  }
0x54: {  	v5 =	vld [tilespmem:s29+$0x0]  }
0x55: {  	v6 =	vld [tilespmem:s29+$0x500]  }
0x56: {  	v7 =	vld [tilespmem:s29+$0xA80]  }
0x57: {  	v8 =	vld [tilespmem:s29+$0x1000]  }
0x58: {  	v10 =	vld [tilespmem:s29+$0x1580]  }
0x59: {  	vm7 =	vgt.f32 v5, $0.0e+00  }
0x5a: {  	v13 =	vnsel vm7, $0xF149F2CA, v5  }
0x5b: {  	s0 =	simm.s32 $0x10;
	[tilespmem:s29+$0x0] =	vst v13  }
0x5c: {  	v11 =	vld [tilespmem:s0+$0x0]  }
0x5d: {  	v5 =	vsub.f32 v8, v6;
	v6 =	vsub.f32 v10, v7;
	v9 =	vld [tilespmem:s0+$0x500]  }
0x5e: {  	v8 =	vld [tilespmem:s0+$0xA80]  }
0x5f: {  	v7 =	vimm.f32 $-1.000000020e+30;
	v10 =	vld [tilespmem:s0+$0x1000];
	v14 =	vmul.f32 v6, v5  }
0x60: {  	vm7 =	vgt.f32 v13, v7;
	v6 =	vimm.s32 $0x40000000;
	v5 =	vor.u32 s28, v0;
	v12 =	vld [tilespmem:s0+$0x1580]  }
0x61: {  	s2 =	smov.u32 s28;
	s3 =	simm.s32 $0x80;
	s4 =	simm.s32 $0xC0;
	v7 =	vsel vm7, v13, v7;
	v6 =	vsel vm7, v5, v6;
	[tilespmem:s29+$0x1B00] =	vst v14;
	vm7 =	vgt.f32 v11, $0.0e+00  }
.LBB2_2:
0x62: {  	p1 =	sne.s32 s4, $0x13C0;
	v13 =	vnsel vm7, $0xF149F2CA, v11;
	s2 =	sadd.s32 $0x10, s2  }
0x63: {  	s24 =	sshra.s32 s3, $0x2;
	s3 =	smov.u32 s4;
	[tilespmem:s0+$0x0] =	vst v13;
	v14 =	vor.u32 s2, v0;
	vm7 =	vgt.f32 v13, v7  }
0x64: {  	v11 =	vld [tilespmem:s24+$0x0];
	v15 =	vsub.f32 v10, v9;
	v7 =	vsel vm7, v13, v7;
	v6 =	vsel vm7, v14, v6  }
.Ltmp2:
0x65: {  	v9 =	vld [tilespmem:s24+$0x500];
	v12 =	vsub.f32 v12, v8;
	(pc) =	sbr.rel @p1 .LBB2_2-.Ltmp2, $4  }
0x66: {  	v8 =	vld [tilespmem:s24+$0xA80]  }
0x67: {  	v10 =	vld [tilespmem:s24+$0x1000];
	v13 =	vmul.f32 v12, v15  }
0x68: {  	v12 =	vld [tilespmem:s24+$0x1580]  }
0x69: {  	s4 =	sadd.s32 $0x40, s4;
	vm7 =	vgt.f32 v11, $0.0e+00;
	[tilespmem:s0+$0x1B00] =	vst v13;
	s0 =	smov.u32 s24  }
0x6a: {  	v11 =	vnsel vm7, $0xF149F2CA, v11  }
0x6b: {  	s3 =	sshra.s32 s3, $0x2;
	[tilespmem:s0+$0x0] =	vst v11  }
0x6c: {  	v13 =	vld [tilespmem:s3+$0x0]  }
0x6d: {  	v14 =	vld [tilespmem:s3+$0x500]  }
0x6e: {  	v15 =	vld [tilespmem:s3+$0xA80]  }
0x6f: {  	v16 =	vld [tilespmem:s3+$0x1000]  }
0x70: {  	v17 =	vld [tilespmem:s3+$0x1580];
	_ =	sdelay $0x1  }
0x71: {  	v9 =	vsub.f32 v10, v9;
	v8 =	vsub.f32 v12, v8;
	_ =	sdelay $0x1  }
0x72: {  	v8 =	vmul.f32 v8, v9  }
0x73: {  	vm7 =	vgt.f32 v13, $0.0e+00;
	v58 =	vsub.f32 v16, v14;
	v59 =	vsub.f32 v17, v15  }
0x74: {  	s2 =	sadd.s32 $0x10, s2;
	v60 =	vnsel vm7, $0xF149F2CA, v13;
	vm7 =	vgt.f32 v11, v7  }
0x75: {  	v61 =	vor.u32 s2, v0;
	s29 =	sadd.s32 $0x10, s2;
	[tilespmem:s0+$0x1B00] =	vst v8;
	v7 =	vsel vm7, v11, v7;
	v8 =	vmul.f32 v59, v58  }
0x76: {  	v63 =	vor.u32 s29, v0;
	v62 =	vsel vm7, v61, v6;
	[tilespmem:s3+$0x0] =	vst v60;
	vm7 =	vgt.f32 v60, v7  }
0x77: {  	s2 =	simm.s32 $0x0;
	s0 =	simm.s32 $0x0;
	v6 =	vsel vm7, v60, v7;
	v7 =	vsel vm7, v63, v62;
	[tilespmem:s3+$0x1B00] =	vst v8  }
.LBB2_4:
0x78: {  	v8 =	vperm.xlane v6, v1;
	v9 =	vperm.xlane v7, v1;
	_ =	sdelay $0x1  }
0x79: {  	vm7 =	veq.f32 v8, v6;
	vm8 =	vlt.s32 v9, v7  }
0x7a: {  	vm9 =	vgt.f32 v8, v6;
	vm7 =	vmand vm7, vm8  }
0x7b: {  	vm7 =	vmor vm9, vm7  }
0x7c: {  	v6 =	vsel vm7, v8, v6;
	v7 =	vsel vm7, v9, v7  }
0x7d: {  	v8 =	vperm.xlane v6, v2;
	v9 =	vperm.xlane v7, v2;
	_ =	sdelay $0x1  }
0x7e: {  	vm7 =	veq.f32 v8, v6;
	vm8 =	vlt.s32 v9, v7  }
0x7f: {  	vm13 =	vgt.f32 v8, v6;
	vm7 =	vmand vm7, vm8  }
0x80: {  	vm7 =	vmor vm13, vm7  }
0x81: {  	v6 =	vsel vm7, v8, v6;
	v7 =	vsel vm7, v9, v7  }
0x82: {  	v8 =	vperm.xlane v6, v3;
	v9 =	vperm.xlane v7, v3;
	_ =	sdelay $0x1  }
0x83: {  	vm7 =	veq.f32 v8, v6;
	vm8 =	vlt.s32 v9, v7  }
0x84: {  	vm14 =	vgt.f32 v8, v6;
	vm7 =	vmand vm7, vm8  }
0x85: {  	vm7 =	vmor vm14, vm7  }
0x86: {  	v6 =	vsel vm7, v8, v6;
	v7 =	vsel vm7, v9, v7  }
0x87: {  	v8 =	vperm.xlane v6, v4;
	v9 =	vperm.xlane v7, v4;
	_ =	sdelay $0x1  }
0x88: {  	vm7 =	veq.f32 v8, v6;
	vm8 =	vlt.s32 v9, v7  }
0x89: {  	vm15 =	vgt.f32 v8, v6;
	vm7 =	vmand vm7, vm8  }
0x8a: {  	vm7 =	vmor vm15, vm7  }
0x8b: {  	v7 =	vsel vm7, v9, v7  }
0x8c: {  	(v2sf) =	vpush v7, $0x0;
	_ =	sdelay $0xe  }
0x8d: {  	s3 =	spop (v2sf)  }
0x8e: {  	s4 =	ssub.s32 s3, s28  }
0x8f: {  	p1 =	slt.s32 s4, $0x4FF  }
0x90: {  	s4 =	simm.s32 @!p1 $0x4FF  }
0x91: {  	v7 =	vld [tilespmem:s4+$0x2080];
	_ =	sdelay $0x4  }
0x92: {  	(v2sf) =	vpush v7, $0x0;
	_ =	sdelay $0x8  }
0x93: {  	v7 =	vld.msk [tilespmem:s4+$0x500 ss:$0x0], $0xffff  }
0x94: {  	v9 =	vld.msk [tilespmem:s4+$0xA80 ss:$0x0], $0xffff  }
0x95: {  	v6 =	vsel vm7, v8, v6;
	s3 =	scvt.s32.f32 s3;
	v8 =	vld.msk [tilespmem:s4+$0x1000 ss:$0x0], $0xffff  }
0x96: {  	vm7 =	veq.s32 v0, $0x1;
	v6 =	vnsel vm0, $0x0, v6;
	v10 =	vld.msk [tilespmem:s4+$0x1580 ss:$0x0], $0xffff  }
0x97: {  	v6 =	vsel vm7, s3, v6  }
0x98: {  	v6 =	vsel vm1, v7, v6;
	v7 =	vld.msk [tilespmem:s4+$0x1B00 ss:$0x0], $0xffff  }
0x99: {  	v6 =	vsel vm2, v6, v9;
	s4 =	spop (v2sf)  }
0x9a: {  	v6 =	vsel vm3, v6, v8;
	s3 =	scvt.s32.f32 s4  }
0x9b: {  	vm7 =	veq.s32 v0, $0x6;
	v6 =	vsel vm4, v6, v10  }
0x9c: {  	v6 =	vsel vm7, s3, v6  }
0x9d: {  	v6 =	vsel vm5, v7, v6  }
0x9e: {  	[tilespmem:$0x2600] =	vst v6  }
0x9f: {  	[spmem:s10] =	stream.linear.scatter [tilespmem:s30], [sflag:$0x1], $0x80, $0x38;
	[tilespmem:$0x2CA0] =	vst v63  }
0xa0: {  	_ =	swait.ge [sflag:s23], $0x80  }
0xa1: {  	[sflag:s23] =	ssyncset.done $0x0  }
0xa2: {  	[sflag:s23] =	ssyncadd.s32 $0xFFFFFF80  }
0xa3: {  	[bflag:$0x0] =	sbarrier.arrive $0xFFFF  }
0xa4: {  	[tilespmem:s31], [sflag:$0x1] =	stream.linear.gather [spmem:s11], $0x200, $0x38;
	[tilespmem:$0x2CA0] =	vst v63  }
0xa5: {  	_ =	swait.ge [sflag:s23], $0x200  }
0xa6: {  	[sflag:s23] =	ssyncset.done $0x0  }
0xa7: {  	[sflag:s23] =	ssyncadd.s32 $0xFFFFFE00  }
0xa8: {  	v6 =	vld [tilespmem:$0x2680];
	_ =	sdelay $0x1  }
0xa9: {  	v7 =	vld [tilespmem:$0x2700];
	_ =	sdelay $0x2  }
0xaa: {  	(v2sf) =	vpush v6, $0x0  }
0xab: {  	(v2sf) =	vpush v6, $0x1  }
0xac: {  	(v2sf) =	vpush v7, $0x0  }
0xad: {  	(v2sf) =	vpush v7, $0x1  }
0xae: {  	v8 =	vld [tilespmem:$0x2780];
	_ =	sdelay $0x4  }
0xaf: {  	(v2sf) =	vpush v8, $0x0  }
0xb0: {  	(v2sf) =	vpush v8, $0x1  }
0xb1: {  	v9 =	vld [tilespmem:$0x2800];
	_ =	sdelay $0x3  }
0xb2: {  	s24 =	spop (v2sf)  }
0xb3: {  	s3 =	spop (v2sf);
	(v2sf) =	vpush v9, $0x0  }
0xb4: {  	s4 =	spop (v2sf);
	(v2sf) =	vpush v9, $0x1  }
0xb5: {  	s25 =	spop (v2sf)  }
0xb6: {  	p4 =	seq.f32 s4, s24;
	p2 =	slt.f32 s25, s3  }
0xb7: {  	_ = 	snop  }
0xb8: {  	p3 =	sgt.f32 s4, s24;
	p1 =	por !p4, !p2  }
0xb9: {  	p1 =	por !p1, !p1  }
0xba: {  	p1 =	por p3, p1  }
0xbb: {  	s24 =	smov.u32 @p1 s4;
	s4 =	spop (v2sf)  }
0xbc: {  	s3 =	smov.u32 @p1 s25;
	s25 =	spop (v2sf)  }
0xbd: {  	p5 =	seq.f32 s4, s24;
	p6 =	slt.f32 s25, s3  }
0xbe: {  	_ = 	snop  }
0xbf: {  	p4 =	sgt.f32 s4, s24;
	p2 =	por !p5, !p6  }
0xc0: {  	s26 =	simm.f32 $1.000000000e+00;
	p3 =	por !p2, !p2  }
0xc1: {  	s26 =	simm.s32 @!p1 $0x0;
	p1 =	por p4, p3  }
0xc2: {  	s29 =	ssub.f32 $1.000000000e+00, s26;
	s24 =	smov.u32 @p1 s4;
	s4 =	spop (v2sf)  }
0xc3: {  	s3 =	smov.u32 @p1 s25;
	s25 =	spop (v2sf)  }
0xc4: {  	v7 =	vmul.f32 s26, v7;
	s26 =	simm.f32 $1.000000000e+00;
	v6 =	vmul.f32 s29, v6;
	p4 =	seq.f32 s4, s24;
	p5 =	slt.f32 s25, s3  }
0xc5: {  	s26 =	simm.s32 @!p1 $0x0  }
0xc6: {  	v6 =	vadd.f32 v6, v7;
	s5 =	ssub.f32 $1.000000000e+00, s26;
	p6 =	sgt.f32 s4, s24;
	p2 =	por !p4, !p5  }
0xc7: {  	p2 =	por !p2, !p2  }
0xc8: {  	v7 =	vmul.f32 s26, v8;
	s26 =	simm.f32 $1.000000000e+00;
	v6 =	vmul.f32 s5, v6;
	p2 =	por p6, p2  }
0xc9: {  	s26 =	simm.s32 @!p2 $0x0  }
0xca: {  	v6 =	vadd.f32 v6, v7;
	s5 =	ssub.f32 $1.000000000e+00, s26;
	_ =	sdelay $0x1  }
0xcb: {  	v7 =	vmul.f32 s26, v9;
	v6 =	vmul.f32 s5, v6;
	_ =	sdelay $0x1  }
0xcc: {  	v6 =	vadd.f32 v6, v7;
	_ =	sdelay $0x1  }
0xcd: {  	(v2sf) =	vpush v6, $0x2  }
0xce: {  	(v2sf) =	vpush v6, $0x3  }
0xcf: {  	(v2sf) =	vpush v6, $0x4  }
0xd0: {  	(v2sf) =	vpush v6, $0x5  }
0xd1: {  	(v2sf) =	vpush v6, $0x6;
	_ =	sdelay $0x4  }
0xd2: {  	s5 =	sand.u32 $0x70, s2  }
0xd3: {  	v7 =	vld [tilespmem:s5+$0x2880]  }
0xd4: {  	s24 =	smov.u32 @p2 s4;
	v8 =	vld [tilespmem:s5+$0x2900]  }
0xd5: {  	s29 =	sand.u32 $0xF, s2;
	p1 =	sgt.f32 s24, $-1.000000020e+29;
	v9 =	vld [tilespmem:s5+$0x2980]  }
0xd6: {  	v10 =	vmov s29;
	v11 =	vld [tilespmem:s5+$0x2A00]  }
0xd7: {  	vm7 =	veq.s32 v10, v0;
	s3 =	smov.u32 @p2 s25;
	s24 =	simm.s32 @!p1 $0x0;
	v10 =	vld [tilespmem:s5+$0x2A80]  }
0xd8: {  	s3 =	simm.s32 @!p1 $0xBF800000;
	v12 =	vld [tilespmem:s5+$0x2B00];
	v7 =	vsel vm7, s24, v7;
	s4 =	spop (v2sf)  }
0xd9: {  	[tilespmem:s5+$0x2880] =	vst v7;
	v7 =	vsel vm7, s3, v8;
	v8 =	vld [tilespmem:s5+$0x2B80];
	s24 =	spop (v2sf);
	s4 =	simm.s32 @!p1 $0x0  }
0xda: {  	[tilespmem:s5+$0x2900] =	vst v7;
	s3 =	spop (v2sf);
	v7 =	vsel vm7, s4, v9;
	s24 =	simm.s32 @!p1 $0x0  }
0xdb: {  	s4 =	spop (v2sf);
	[tilespmem:s5+$0x2980] =	vst v7;
	v7 =	vsel vm7, s24, v11;
	s3 =	simm.s32 @!p1 $0x0  }
0xdc: {  	p5 =	por $0x1, $0x1;
	s24 =	spop (v2sf);
	[tilespmem:s5+$0x2A00] =	vst v7;
	v7 =	vsel vm7, s3, v10;
	s4 =	simm.s32 @!p1 $0x0  }
.Ltmp3:
0xdd: {  	[tilespmem:s5+$0x2A80] =	vst v7;
	v7 =	vsel vm7, s4, v12;
	s24 =	simm.s32 @!p1 $0xBF800000;
	(pc) =	sbr.rel @!p5 .LBB2_5-.Ltmp3, $4  }
0xde: {  	v13 =	vbroadcast v6, $0x3;
	[tilespmem:s5+$0x2B00] =	vst v7;
	v7 =	vsel vm7, s24, v8  }
0xdf: {  	s25 =	simm.s32 $0x0;
	v9 =	vbroadcast v6, $0x7;
	v11 =	vbroadcast v6, $0x2;
	s3 =	simm.f32 $5.000000000e-01;
	[tilespmem:s5+$0x2B80] =	vst v7  }
0xe0: {  	v10 =	vbroadcast v6, $0x4;
	v12 =	vbroadcast v6, $0x5;
	s3 =	simm.s32 @!p1 $0x7149F2CA;
	v19 =	vld [tilespmem:s25+$0x500]  }
0xe1: {  	p3 =	por $0x0, $0x0;
	p4 =	por $0x0, $0x0;
	p2 =	por $0x0, $0x0;
	v6 =	vimm.s32 $0x40000000;
	v8 =	vmov s3;
	v7 =	vimm.f32 $-1.000000020e+30;
	v23 =	vld [tilespmem:s25+$0xA80]  }
0xe2: {  	v14 =	vld [tilespmem:s25+$0x1000]  }
0xe3: {  	v16 =	vld [tilespmem:s25+$0x1580];
	p5 =	por $0x1, $0x1  }
.Ltmp4:
0xe4: {  	_ = 	snop;
	(pc) =	sbr.rel @!p5 .LBB2_7-.Ltmp4, $4  }
0xe5: {  	_ = 	snop  }
0xe6: {  	s29 =	simm.s32 $0x10;
	v15 =	vld [tilespmem:s25+$0x1B00]  }
0xe7: {  	v28 =	vld [tilespmem:s29+$0x500];
	v25 =	vmax.f32 v11, v19  }
0xe8: {  	p2 =	por $0x1, $0x1;
	v30 =	vld [tilespmem:s29+$0xA80];
	v27 =	vmax.f32 v13, v23;
	v21 =	vmin.f32 v10, v14;
	v26 =	vmin.f32 v12, v16  }
0xe9: {  	v16 =	vld [tilespmem:s29+$0x1000]  }
0xea: {  	v14 =	vsub.f32 v21, v25;
	v17 =	vsub.f32 v26, v27;
	v18 =	vld [tilespmem:s29+$0x1580];
	p5 =	por $0x1, $0x1  }
.Ltmp5:
0xeb: {  	_ = 	snop;
	(pc) =	sbr.rel @!p5 .LBB2_9-.Ltmp5, $4  }
0xec: {  	s26 =	simm.s32 $0x20;
	v20 =	vld [tilespmem:s29+$0x1B00];
	v14 =	vmax.f32 v14, $0.0e+00;
	v17 =	vmax.f32 v17, $0.0e+00  }
0xed: {  	v19 =	vld [tilespmem:s26+$0x500];
	v15 =	vadd.f32 v15, v9;
	v14 =	vmul.f32 v17, v14  }
0xee: {  	v23 =	vld [tilespmem:s26+$0xA80];
	v25 =	vmax.f32 v11, v28;
	v27 =	vmax.f32 v13, v30  }
0xef: {  	p3 =	por $0x1, $0x1;
	v21 =	vmin.f32 v10, v16;
	v16 =	vld [tilespmem:s25+$0x0];
	v17 =	vsub.f32 v15, v14;
	v26 =	vmin.f32 v12, v18  }
0xf0: {  	_ = 	snop  }
0xf1: {  	v18 =	vld [tilespmem:s26+$0x1000];
	v15 =	vsub.f32 v21, v25;
	v21 =	vsub.f32 v26, v27;
	v22 =	vmul.f32 v17, v8  }
0xf2: {  	v26 =	vld [tilespmem:s26+$0x1580];
	p5 =	por $0x1, $0x1  }
.Ltmp6:
0xf3: {  	s24 =	simm.s32 $0x30;
	v24 =	vmax.f32 v15, $0.0e+00;
	v21 =	vmax.f32 v21, $0.0e+00;
	vm7 =	vgt.f32 v14, v22;
	(pc) =	sbr.rel @!p5 .LBB2_11-.Ltmp6, $4  }
0xf4: {  	v20 =	vadd.f32 v20, v9;
	v31 =	vld [tilespmem:s24+$0x500];
	v24 =	vmul.f32 v21, v24;
	v22 =	vsel vm7, $0xF149F2CA, v16  }
0xf5: {  	v15 =	vld [tilespmem:s26+$0x1B00];
	v25 =	vmax.f32 v11, v19;
	v27 =	vmax.f32 v13, v23;
	[tilespmem:s25+$0x0] =	vst v22  }
0xf6: {  	vm7 =	vgt.f32 v22, v7;
	v21 =	vmin.f32 v10, v18;
	v29 =	vsub.f32 v20, v24;
	v28 =	vld [tilespmem:s29+$0x0]  }
0xf7: {  	s4 =	simm.s32 $0x100;
	p4 =	por $0x1, $0x1;
	s3 =	smov.u32 s28;
	v26 =	vmin.f32 v12, v26;
	v18 =	vimm.s32 $0x40000000;
	v20 =	vsel vm7, v22, v7;
	v30 =	vld [tilespmem:s24+$0xA80];
	v22 =	vmovc v5  }
.LBB2_12:
0xf8: {  	p5 =	sne.s32 s4, $0x13C0;
	v19 =	vld [tilespmem:s24+$0x1000];
	v21 =	vsub.f32 v21, v25;
	v27 =	vsub.f32 v26, v27;
	v25 =	vmul.f32 v29, v8  }
0xf9: {  	v18 =	vsel vm7, v22, v18;
	v26 =	vld [tilespmem:s24+$0x1580]  }
.Ltmp7:
0xfa: {  	v21 =	vmax.f32 v21, $0.0e+00;
	v22 =	vmax.f32 v27, $0.0e+00;
	vm7 =	vgt.f32 v24, v25;
	v23 =	vmovc v31;
	(pc) =	sbr.rel @p5 .LBB2_12-.Ltmp7, $4  }
0xfb: {  	s5 =	sshra.s32 s4, $0x2;
	s3 =	sadd.s32 $0x10, s3;
	v25 =	vadd.f32 v15, v9;
	v24 =	vmul.f32 v22, v21;
	v15 =	vld [tilespmem:s24+$0x1B00];
	v27 =	vsel vm7, $0xF149F2CA, v28  }
0xfc: {  	v22 =	vor.u32 s3, v0;
	v31 =	vld [tilespmem:s5+$0x500];
	[tilespmem:s29+$0x0] =	vst v27;
	vm7 =	vgt.f32 v27, v20;
	s29 =	smov.u32 s26;
	s26 =	smov.u32 s24;
	s24 =	smov.u32 s5  }
0xfd: {  	v21 =	vmin.f32 v10, v19;
	v28 =	vld [tilespmem:s29+$0x0];
	v29 =	vsub.f32 v25, v24;
	v20 =	vsel vm7, v27, v20  }
0xfe: {  	s4 =	sadd.s32 $0x40, s4;
	v25 =	vmax.f32 v11, v23;
	v27 =	vmax.f32 v13, v30;
	v26 =	vmin.f32 v12, v26;
	v30 =	vld [tilespmem:s24+$0xA80]  }
0xff: {  	_ =	sdelay $0x3  }
0x100: {  	s4 =	smov.u32 s29;
	s29 =	smov.u32 s26;
	v19 =	vmov v31;
	v23 =	vmov v30  }
.LBB2_14:
0x101: {  	v29 =	vmul.f32 @p3 v29, v8;
	v30 =	vld [tilespmem:s24+$0x1000];
	v21 =	vsub.f32 @p2 v21, v25;
	v25 =	vsub.f32 @p2 v26, v27  }
0x102: {  	v57 =	vld [tilespmem:s24+$0x1580]  }
0x103: {  	vm8 =	vgt.f32 @p3 v24, v29;
	v21 =	vmax.f32 @p2 v21, $0.0e+00;
	v24 =	vmax.f32 @p2 v25, $0.0e+00  }
0x104: {  	v58 =	vld [tilespmem:s24+$0x1B00];
	v15 =	vadd.f32 @p2 v15, v9;
	v27 =	vsel @p3 vm8, $0xF149F2CA, v28;
	v21 =	vmul.f32 @p2 v24, v21  }
0x105: {  	[tilespmem:s4+$0x0] =	vst @p3 v27;
	s4 =	smov.u32 @p2 s29  }
0x106: {  	v11 =	vmax.f32 v11, v19;
	v24 =	vld @p2 [tilespmem:s4+$0x0];
	v15 =	vsub.f32 @p2 v15, v21  }
0x107: {  	v13 =	vmax.f32 v13, v23;
	v10 =	vmin.f32 v10, v30;
	v12 =	vmin.f32 v12, v57  }
0x108: {  	v10 =	vsub.f32 v10, v11;
	v59 =	vsub.f32 v12, v13;
	v15 =	vpsel p2, v15, v17  }
0x109: {  	v60 =	vadd.f32 v58, v9;
	v12 =	vmul.f32 @p2 v15, v8  }
0x10a: {  	v13 =	vpsel p2, v21, v14;
	v10 =	vmax.f32 v10, $0.0e+00;
	v11 =	vmax.f32 v59, $0.0e+00  }
0x10b: {  	s3 =	sadd.s32 @p4 $0x10, s3;
	s5 =	smov.u32 s28;
	v10 =	vmul.f32 v11, v10;
	v14 =	vpsel p2, v24, v16;
	vm8 =	vgt.f32 @p2 v13, v12  }
0x10c: {  	s5 =	smov.u32 @p4 s3;
	s25 =	smov.u32 @p2 s4;
	v11 =	vsel @p2 vm8, $0xF149F2CA, v14  }
0x10d: {  	s3 =	sadd.s32 @p3 $0x10, s5;
	s4 =	smov.u32 s28;
	v12 =	vsel @p4 vm7, v22, v18;
	vm7 =	vgt.f32 @p3 v27, v20;
	v9 =	vsub.f32 v60, v10;
	[tilespmem:s25+$0x0] =	vst @p2 v11  }
0x10e: {  	s4 =	smov.u32 @p3 s3;
	v13 =	vor.u32 @p3 s5, v0;
	v14 =	vsel @p3 vm7, v27, v20;
	v61 =	vld [tilespmem:s24+$0x0]  }
0x10f: {  	s3 =	sadd.s32 @p2 $0x10, s4;
	vm7 =	vmmov @p3 vm7;
	v8 =	vmul.f32 v9, v8;
	v9 =	vor.u32 @p2 s4, v0;
	s4 =	smov.u32 s28  }
0x110: {  	s2 =	sadd.s32 $0x1, s2;
	v13 =	vpsel p3, v13, v0;
	v12 =	vpsel p4, v12, v6;
	v14 =	vpsel p3, v14, v7;
	s4 =	smov.u32 @p2 s3;
	s3 =	simm.s32 $0x1  }
0x111: {  	v12 =	vsel @p3 vm7, v13, v12;
	vm7 =	vgt.f32 @p2 v11, v14;
	s3 =	simm.s32 @!p1 $0x0;
	p1 =	sne.s32 s2, $0x64  }
.Ltmp8:
0x112: {  	v12 =	vpsel p3, v12, v6;
	v11 =	vsel @p2 vm7, v11, v14;
	vm8 =	vgt.f32 v10, v8;
	(pc) =	sbr.rel @p1 .LBB2_4-.Ltmp8, $4  }
.Ltmp9:
0x113: {  	vm7 =	vmmov @p2 vm7;
	v9 =	vpsel p2, v9, v0;
	v62 =	vsel vm8, $0xF149F2CA, v61;
	(pc) =	sbr.rel @!p1 .LBB2_15-.Ltmp9, $4  }
0x114: {  	v8 =	vsel @p2 vm7, v9, v12;
	v7 =	vpsel p2, v11, v7;
	[tilespmem:s24+$0x0] =	vst v62  }
0x115: {  	v63 =	vor.u32 s4, v0;
	v8 =	vpsel p2, v8, v6;
	vm7 =	vgt.f32 v62, v7;
	[bflag:$0x0] =	sbarrier.arrive $0xFFFF  }
0x116: {  	s0 =	sadd.s32 s3, s0;
	v6 =	vsel vm7, v62, v7;
	v7 =	vsel vm7, v63, v8  }
0x117: {  	_ = 	snop  }
.LBB2_5:
.Ltmp10:
0x118: {  	(pc) =	sbr.rel .LBB2_14-.Ltmp10, $2  }
0x119: {  	_ =	sdelay $0x2  }
0x11a: {  	s24 =	simm.s32 $0x0;
	v18 =	vimm.s32 $0x40000000;
	s3 =	smov.u32 s28;
	v20 =	vimm.f32 $-1.000000020e+30  }
.LBB2_7:
.Ltmp11:
0x11b: {  	_ = 	snop;
	(pc) =	sbr.rel .LBB2_14-.Ltmp11, $2  }
0x11c: {  	_ =	sdelay $0x2  }
0x11d: {  	s24 =	simm.s32 $0x10;
	v18 =	vimm.s32 $0x40000000;
	s3 =	smov.u32 s28;
	v20 =	vimm.f32 $-1.000000020e+30;
	s29 =	simm.s32 $0x0;
	v19 =	vmovc v28;
	v23 =	vmov v30  }
.LBB2_9:
.Ltmp12:
0x11e: {  	_ = 	snop;
	(pc) =	sbr.rel .LBB2_14-.Ltmp12, $3  }
0x11f: {  	_ =	sdelay $0x1  }
0x120: {  	v18 =	vimm.s32 $0x40000000  }
0x121: {  	s24 =	simm.s32 $0x20;
	v24 =	vmovc v14;
	s3 =	smov.u32 s28;
	s4 =	simm.s32 $0x0;
	v29 =	vmovc v17;
	v15 =	vmov v20;
	v20 =	vimm.f32 $-1.000000020e+30;
	v28 =	vmov v16  }
.LBB2_11:
.Ltmp13:
0x122: {  	_ = 	snop;
	(pc) =	sbr.rel .LBB2_14-.Ltmp13, $2  }
0x123: {  	_ =	sdelay $0x2  }
0x124: {  	v22 =	vmovc v5;
	v18 =	vimm.s32 $0x40000000;
	s3 =	smov.u32 s28;
	s4 =	simm.s32 $0x10;
	s29 =	simm.s32 $0x20;
	v19 =	vmov v31;
	v23 =	vmov v30  }
.LBB2_16:
0x125: {  	_ =	sfence.sel $0x180000  }
0x126: {  	[bflag:$0x0] =	sbarrier.arrive $0xFFFF  }
0x127: {  	_ =	strace $0x90000047  }
0x128: {  	s0 =	stileid.u32;
	[bflag:$0x2] =	sbarrier.arrive $0xFFFF  }
0x129: {  	p0 =	sne.s32 s0, $0x0;
	s0 =	rddreg [dreg:$0x6]  }
0x12a: {  	s0 =	sadd.s32 @!p0 $0x100000, s0  }
0x12b: {  	[sflag:s0] =	ssyncadd.tile.s32 @!p0 $0x1;
	_ =	shalt  }
.Lfunc_end2:
_tile_overlayer_lowered:
.L_overlay_start_2:
0x12c: {  	(tag) =	ssettag $0x2  }
0x12d: {  	s0 =	rddreg [dreg:$0x0];
	s2 =	stileid.u32  }
0x12e: {  	s1 =	rddreg [dreg:$0x1];
	p0 =	sne.s32 s2, $0x0  }
0x12f: {  	s3 =	rddreg [dreg:$0x2];
	[bflag:$0x3] =	sbarrier.arrive $0xFFFF;
	s2 =	simm.s32 @!p0 $0x1C01  }
0x130: {  	[timem:s3], [sflag:s2] =	dma.local @!p0 [hbm:s0], s1  }
0x131: {  	s0 =	simm.s32 @!p0 $0x1  }
0x132: {  	_ =	swait.ge @!p0 [sflag:s0], s1  }
0x133: {  	s1 =	ssub.s32 @!p0 $0x0, s1;
	[sflag:s0] =	ssyncset.done @!p0 $0x0  }
0x134: {  	[sflag:s0] =	ssyncadd.s32 @!p0 s1  }
0x135: {  	[bflag:$0x3] =	sbarrier.arrive $0xFFFF  }
0x136: {  	_ =	shalt  }

</sc_bundles>
